<compile_context>
chip_gen: v7x
topology: tpu7x:2x2x1
jax: 0.10.2.dev20260603
libtpu: 0.0.44.dev20260713+nightly
codegen_flags: <defaults>
</compile_context>

<pallas_src>
import functools

import jax
import jax.numpy as jnp
from jax import lax
from jax.experimental import pallas as pl
from jax.experimental.pallas import tpu as pltpu
from jax.experimental.pallas import tpu_sc as plsc

_N = 10000
_E = 320000
_D = 128
_P = 16

_ROWS = 10240
_TRASH = 10000
_ACC_ROWS = _ROWS
_ZCHUNK = _ACC_ROWS // 16
_CHUNK = 128
_NW = 32
_CW = 80
_NBUF = 2
_CWH = _CW // 2
_EPAD = _NW * _CW * _CHUNK
_NCHUNKS = _NW * _CW
_GRID = _ROWS // 128

_f32 = jnp.float32



def _sc_agg_body(x_hbm, src_hbm, dst_hbm, z_hbm, s_out,
                 src_v, dst_v, rows_v, acc, gsem):
    c = lax.axis_index("c")
    s = lax.axis_index("s")
    w = c * 16 + s
    pltpu.sync_copy(z_hbm, acc.at[pl.ds(s * _ZCHUNK, _ZCHUNK)])
    pltpu.sync_copy(src_hbm.at[w], src_v)
    pltpu.sync_copy(dst_hbm.at[w], dst_v)
    plsc.subcore_barrier()

    def step(j, carry):
        pltpu.async_copy(x_hbm.at[src_v.at[j]], rows_v, gsem).wait()
        pltpu.sync_copy(rows_v, acc.at[dst_v.at[j]], add=True)
        return carry

    lax.fori_loop(0, _CW, step, 0)
    plsc.subcore_barrier()
    o = s * _ZCHUNK
    pltpu.sync_copy(acc.at[pl.ds(o, _ZCHUNK)], s_out.at[c, pl.ds(o, _ZCHUNK)])


@functools.cache
def _sc_agg():
    mesh = plsc.VectorSubcoreMesh(core_axis_name="c", subcore_axis_name="s",
                                  num_cores=2)
    return pl.kernel(
        _sc_agg_body,
        mesh=mesh,
        out_type=[jax.ShapeDtypeStruct((2, _ROWS, _D), _f32)],
        scratch_types=[
            pltpu.VMEM((_CW, _CHUNK), jnp.int32),
            pltpu.VMEM((_CW, _CHUNK), jnp.int32),
            pltpu.VMEM((_CHUNK, _D), _f32),
            pltpu.VMEM_SHARED((_ACC_ROWS, _D), _f32),
            pltpu.SemaphoreType.DMA,
        ],
    )


def _sc_deg_body(dst_hbm, z_hbm, ones_hbm, d_out,
                 dst_v, ones_v, dacc):
    c = lax.axis_index("c")
    s = lax.axis_index("s")
    w = c * 16 + s
    pltpu.sync_copy(z_hbm, dacc.at[pl.ds(s * _ZCHUNK, _ZCHUNK)])
    pltpu.sync_copy(ones_hbm, ones_v)
    pltpu.sync_copy(dst_hbm.at[w], dst_v)
    plsc.subcore_barrier()

    def step(j, carry):
        pltpu.sync_copy(ones_v, dacc.at[dst_v.at[j]], add=True)
        return carry

    lax.fori_loop(0, _CW, step, 0)
    plsc.subcore_barrier()
    o = s * _ZCHUNK
    pltpu.sync_copy(dacc.at[pl.ds(o, _ZCHUNK)], d_out.at[c, pl.ds(o, _ZCHUNK)])


@functools.cache
def _sc_deg():
    mesh = plsc.VectorSubcoreMesh(core_axis_name="c", subcore_axis_name="s",
                                  num_cores=2)
    return pl.kernel(
        _sc_deg_body,
        mesh=mesh,
        out_type=[jax.ShapeDtypeStruct((2, _ROWS, _D), _f32)],
        scratch_types=[
            pltpu.VMEM((_CW, _CHUNK), jnp.int32),
            pltpu.VMEM((_CHUNK, _D), _f32),
            pltpu.VMEM_SHARED((_ACC_ROWS, _D), _f32),
        ],
    )



def _tc1_body(sp0, sp1, dp0, dp1, xp, w1, b1, part, x1o, cnto):
    i = pl.program_id(0)
    ssum = sp0[0] + sp1[0] + xp[...]
    dcnt = dp0[0][:, 0:1] + dp1[0][:, 0:1]
    z = ssum / (dcnt + 1.0)
    y = jnp.dot(z, w1[...], preferred_element_type=_f32) + b1[...]
    x1o[...] = jnp.maximum(y, 0.0)
    pids = lax.broadcasted_iota(jnp.int32, (_P, 128), 0)
    cmp = (part[0] == pids).astype(_f32)

    @pl.when(i == 0)
    def _():
        cnto[...] = cmp

    @pl.when(i != 0)
    def _():
        cnto[...] = cnto[...] + cmp


def _tc2_body(sp0, sp1, dp0, dp1, xp, w2, b2, nsw1, nsb1, nsw2, nsb2,
              psw1, psb1, psw2, psb2, cw1, cb1, cw2, cb2, cnt, part,
              nlo, pmlo, valo, acc):
    i = pl.program_id(0)
    ssum = sp0[0] + sp1[0] + xp[...]
    dcnt = dp0[0][:, 0:1] + dp1[0][:, 0:1]
    x2 = jnp.dot(ssum / (dcnt + 1.0), w2[...],
                 preferred_element_type=_f32) + b2[...]
    h = jnp.maximum(jnp.dot(x2, nsw1[...], preferred_element_type=_f32)
                    + nsb1[...], 0.0)
    nlo[...] = jnp.dot(h, nsw2[...], preferred_element_type=_f32) + nsb2[...]
    hp = jnp.maximum(jnp.dot(x2, psw1[...], preferred_element_type=_f32)
                     + psb1[...], 0.0)
    plog = jnp.dot(hp, psw2[...], preferred_element_type=_f32) + psb2[...]
    onehot = part[...] == lax.broadcasted_iota(jnp.int32, (128, _P), 1)
    lockedsel = onehot & (cnt[...] <= 1.0)
    locked = jnp.sum(lockedsel.astype(_f32), axis=1, keepdims=True) > 0.0
    mask = locked & jnp.logical_not(onehot)
    pmlo[...] = jnp.where(mask, -jnp.inf, plog)
    rowid = i * 128 + lax.broadcasted_iota(jnp.int32, (128, 1), 0)
    xs = jnp.sum(jnp.where(rowid < _N, x2, 0.0), axis=0, keepdims=True)

    @pl.when(i == 0)
    def _():
        acc[...] = jnp.zeros_like(acc)

    acc[...] = acc[...] + jnp.broadcast_to(xs, (8, 128))

    @pl.when(i == pl.num_programs(0) - 1)
    def _():
        mean = acc[0:1, :] / float(_N)
        hv = jnp.maximum(jnp.dot(mean, cw1[...], preferred_element_type=_f32)
                         + cb1[...], 0.0)
        v = jnp.dot(hv, cw2[...], preferred_element_type=_f32) + cb2[...]
        valo[...] = jnp.broadcast_to(v, (8, 128))


def _full(shape):
    return pl.BlockSpec(shape, lambda i: tuple(0 for _ in shape))


@functools.cache
def _tc1():
    return pl.pallas_call(
        _tc1_body,
        grid=(_GRID,),
        in_specs=[
            pl.BlockSpec((1, 128, _D), lambda i: (0, i, 0)),
            pl.BlockSpec((1, 128, _D), lambda i: (1, i, 0)),
            pl.BlockSpec((1, 128, _D), lambda i: (0, i, 0)),
            pl.BlockSpec((1, 128, _D), lambda i: (1, i, 0)),
            pl.BlockSpec((128, _D), lambda i: (i, 0)),
            _full((_D, _D)),
            _full((1, _D)),
            pl.BlockSpec((1, 1, 128), lambda i: (i, 0, 0)),
        ],
        out_specs=[
            pl.BlockSpec((128, _D), lambda i: (i, 0)),
            pl.BlockSpec((_P, 128), lambda i: (0, 0)),
        ],
        out_shape=[
            jax.ShapeDtypeStruct((_ROWS, _D), _f32),
            jax.ShapeDtypeStruct((_P, 128), _f32),
        ],
    )


@functools.cache
def _tc2():
    return pl.pallas_call(
        _tc2_body,
        grid=(_GRID,),
        in_specs=[
            pl.BlockSpec((1, 128, _D), lambda i: (0, i, 0)),
            pl.BlockSpec((1, 128, _D), lambda i: (1, i, 0)),
            pl.BlockSpec((1, 128, _D), lambda i: (0, i, 0)),
            pl.BlockSpec((1, 128, _D), lambda i: (1, i, 0)),
            pl.BlockSpec((128, _D), lambda i: (i, 0)),
            _full((_D, _D)),
            _full((1, _D)),
            _full((_D, 64)),
            _full((1, 64)),
            _full((64, 1)),
            _full((1, 1)),
            _full((_D, 64)),
            _full((1, 64)),
            _full((64, _P)),
            _full((1, _P)),
            _full((_D, _D)),
            _full((1, _D)),
            _full((_D, 1)),
            _full((1, 1)),
            _full((1, _P)),
            pl.BlockSpec((128, 1), lambda i: (i, 0)),
        ],
        out_specs=[
            pl.BlockSpec((128, 1), lambda i: (i, 0)),
            pl.BlockSpec((128, _P), lambda i: (i, 0)),
            pl.BlockSpec((8, 128), lambda i: (0, 0)),
        ],
        out_shape=[
            jax.ShapeDtypeStruct((_ROWS, 1), _f32),
            jax.ShapeDtypeStruct((_ROWS, _P), _f32),
            jax.ShapeDtypeStruct((8, 128), _f32),
        ],
        scratch_shapes=[pltpu.VMEM((8, 128), _f32)],
    )



def _agg(x_pad, src_c, dst_c, zrows):
    return _sc_agg()(x_pad, src_c, dst_c, zrows)


def _deg(dst_c, zrows, ones):
    return _sc_deg()(dst_c, zrows, ones)


def kernel(node_features, edge_index, current_partition,
           gW1, gb1, gW2, gb2,
           nsW1, nsb1, nsW2, nsb2,
           psW1, psb1, psW2, psb2,
           cW1, cb1, cW2, cb2):
    key = edge_index[0] * _N + edge_index[1]
    skey = jnp.sort(key)
    dup = jnp.concatenate(
        [jnp.zeros((1,), jnp.bool_), skey[1:] == skey[:-1]])
    dst = skey // _N
    src = skey - dst * _N
    spread = _TRASH + (jnp.arange(_E, dtype=jnp.int32) % (_ROWS - _N))
    dst = jnp.where(dup, spread, dst)
    pad = _EPAD - _E
    padspread = _TRASH + (jnp.arange(pad, dtype=jnp.int32) % (_ROWS - _N))
    src_c = jnp.concatenate(
        [src, jnp.zeros((pad,), jnp.int32)]).reshape(_NW, _CW, _CHUNK)
    dst_c = jnp.concatenate(
        [dst, padspread]).reshape(_NW, _CW, _CHUNK)

    x_pad = jnp.pad(node_features, ((0, _ROWS - _N), (0, 0)))
    zrows = jnp.zeros((_ZCHUNK, _D), _f32)
    ones = jnp.ones((_CHUNK, _D), _f32)
    part_pad = jnp.pad(current_partition, (0, _ROWS - _N),
                       constant_values=-1)
    part3 = part_pad.reshape(_GRID, 1, 128)
    part2 = part_pad.reshape(_ROWS, 1)

    (s1p,) = _agg(x_pad, src_c, dst_c, zrows)
    (d1p,) = _deg(dst_c, zrows, ones)
    x1, counts = _tc1()(s1p, s1p, d1p, d1p, x_pad, gW1,
                        gb1.reshape(1, _D), part3)
    (s2p,) = _agg(x1, src_c, dst_c, zrows)
    cnt16 = jnp.sum(counts, axis=1).reshape(1, _P)
    nl, pml, val = _tc2()(s2p, s2p, d1p, d1p, x1, gW2, gb2.reshape(1, _D),
                          nsW1, nsb1.reshape(1, 64), nsW2,
                          nsb2.reshape(1, 1),
                          psW1, psb1.reshape(1, 64), psW2,
                          psb2.reshape(1, _P),
                          cW1, cb1.reshape(1, _D), cW2, cb2.reshape(1, 1),
                          cnt16, part2)
    return (nl[:_N, 0], pml[:_N], val[0, 0])

# --- scband reference (transcript-rebuilt; emitter-appended) ---
"""Pipeline reference for scband-ppopolicy-gnn-26268019982941 (READ-ONLY COPY).

The authoritative reference and input builder live on the scoring server;
editing this copy changes nothing except your own understanding.
"""

import jax, jax.numpy as jnp
import numpy as np

N = 10000
E = 320000
D = 128
H = 128
HH = 64
P = 16


def setup_inputs(seed: int = 0) -> dict:
    key = jax.random.key(seed)
    ks = jax.random.split(key, 24)
    s = 0.05
    inp = {}
    inp["node_features"] = jax.random.normal(ks[0], (N, D), dtype=jnp.float32)
    inp["edge_index"] = jax.random.randint(ks[1], (2, E), 0, N, dtype=jnp.int32)
    inp["current_partition"] = jax.random.randint(ks[2], (N,), 0, P, dtype=jnp.int32)
    # GCN layer 1: Linear(D -> H); GCN layer 2: Linear(H -> H)
    inp["gW1"] = jax.random.normal(ks[3], (D, H), dtype=jnp.float32) * s
    inp["gb1"] = jnp.zeros((H,), dtype=jnp.float32)
    inp["gW2"] = jax.random.normal(ks[4], (H, H), dtype=jnp.float32) * s
    inp["gb2"] = jnp.zeros((H,), dtype=jnp.float32)
    # node_selector: Linear(H -> H//2), ReLU, Linear(H//2 -> 1)
    inp["nsW1"] = jax.random.normal(ks[5], (H, HH), dtype=jnp.float32) * s
    inp["nsb1"] = jnp.zeros((HH,), dtype=jnp.float32)
    inp["nsW2"] = jax.random.normal(ks[6], (HH, 1), dtype=jnp.float32) * s
    inp["nsb2"] = jnp.zeros((1,), dtype=jnp.float32)
    # partition_selector: Linear(H -> H//2), ReLU, Linear(H//2 -> P)
    inp["psW1"] = jax.random.normal(ks[7], (H, HH), dtype=jnp.float32) * s
    inp["psb1"] = jnp.zeros((HH,), dtype=jnp.float32)
    inp["psW2"] = jax.random.normal(ks[8], (HH, P), dtype=jnp.float32) * s
    inp["psb2"] = jnp.zeros((P,), dtype=jnp.float32)
    # critic: Linear(H -> H), ReLU, Linear(H -> 1)
    inp["cW1"] = jax.random.normal(ks[9], (H, H), dtype=jnp.float32) * s
    inp["cb1"] = jnp.zeros((H,), dtype=jnp.float32)
    inp["cW2"] = jax.random.normal(ks[10], (H, 1), dtype=jnp.float32) * s
    inp["cb2"] = jnp.zeros((1,), dtype=jnp.float32)
    return inp


def _gcn_layer(x, e0, e1, W, b):
    n = x.shape[0]
    adj = jnp.zeros((n, n), dtype=x.dtype).at[e0, e1].set(1.0)
    adj = adj + jnp.eye(n, dtype=x.dtype)
    degree = adj.sum(axis=1, keepdims=True)
    degree = jnp.where(degree > 0, degree, jnp.ones_like(degree))
    adj = adj / degree
    out = adj @ x
    return out @ W + b


def reference(node_features, edge_index, current_partition,
              gW1, gb1, gW2, gb2,
              nsW1, nsb1, nsW2, nsb2,
              psW1, psb1, psW2, psb2,
              cW1, cb1, cW2, cb2):
    e0 = edge_index[0]
    e1 = edge_index[1]
    x = _gcn_layer(node_features, e0, e1, gW1, gb1)
    x = jax.nn.relu(x)  # dropout is identity in eval mode
    x = _gcn_layer(x, e0, e1, gW2, gb2)
    # node selector
    h = jax.nn.relu(x @ nsW1 + nsb1)
    node_logits = (h @ nsW2 + nsb2)[:, 0]
    # partition selector
    hp = jax.nn.relu(x @ psW1 + psb1)
    partition_logits = hp @ psW2 + psb2
    # action mask: nodes whose current partition has count <= 1 may only keep current partition
    counts = jnp.bincount(current_partition, length=P)
    locked = counts[current_partition] <= 1  # [N] bool
    part_ids = jnp.arange(P, dtype=current_partition.dtype)[None, :]
    mask = locked[:, None] & (part_ids != current_partition[:, None])
    masked_partition_logits = jnp.where(mask, -jnp.inf, partition_logits)
    # critic on mean-pooled graph representation
    graph_rep = jnp.mean(x, axis=0, keepdims=True)
    hv = jax.nn.relu(graph_rep @ cW1 + cb1)
    value = (hv @ cW2 + cb2).squeeze()
    return (node_logits, masked_partition_logits, value)

if __name__ == "__main__":
    import jax
    _d = setup_inputs()
    print(jax.jit(kernel)(*tuple(_d.values())))

</pallas_src>

<mosaic_0001>
#map = affine_map<(d0, d1) -> (0, 0)>
#map1 = affine_map<(d0, d1) -> (0, 0, 0)>
module attributes {stable_mosaic.version = 14 : i64} {
  func.func @_sc_agg_body(%arg0: i32, %arg1: i32, %arg2: memref<10240x128xf32, #tpu.memory_space<hbm>>, %arg3: memref<32x80x128xi32, #tpu.memory_space<hbm>>, %arg4: memref<32x80x128xi32, #tpu.memory_space<hbm>>, %arg5: memref<640x128xf32, #tpu.memory_space<hbm>>, %arg6: memref<2x10240x128xf32, #tpu.memory_space<hbm>>, %arg7: memref<80x128xi32, #tpu.memory_space<vmem>>, %arg8: memref<80x128xi32, #tpu.memory_space<vmem>>, %arg9: memref<128x128xf32, #tpu.memory_space<vmem>>, %arg10: memref<10240x128xf32, #tpu.memory_space<vmem_shared>>, %arg11: memref<!tpu.dma_semaphore, #tpu.memory_space<semaphore_mem>>) attributes {dimension_semantics = [#tpu.dimension_semantics<core_parallel>, #tpu.dimension_semantics<subcore_parallel>], iteration_bounds = array<i64: 2, 16>, scalar_prefetch = 0 : i64, scratch_operands = 5 : i64, tpu.core_type = #tpu.core_type<sc_vector_subcore>, window_params = [{transform_indices = #map}, {transform_indices = #map1}, {transform_indices = #map1}, {transform_indices = #map}, {transform_indices = #map1}]} {
    %mul3A = arith.constant 16 : i32
    %mul3A_0 = arith.muli %arg0, %mul3A : i32
    %add3A = arith.addi %mul3A_0, %arg1 : i32
    %mul3A_1 = arith.constant 640 : i32
    %mul3A_2 = arith.muli %arg1, %mul3A_1 : i32
    "tpu.region"() ({
      %run_scoped3A = tpu.sem_alloc : memref<!tpu.dma_semaphore, #tpu.memory_space<semaphore_mem>>
      %dma_start3A = arith.constant 0 : i32
      %dma_start3A_11 = tpu.memref_slice %arg10[%mul3A_2, %dma_start3A] : memref<10240x128xf32, #tpu.memory_space<vmem_shared>> -> memref<640x128xf32, #tpu.memory_space<vmem_shared>>
      tpu.enqueue_dma source(%arg5 : memref<640x128xf32, #tpu.memory_space<hbm>>) target(%dma_start3A_11 : memref<640x128xf32, #tpu.memory_space<vmem_shared>>) target_semaphore(%run_scoped3A : memref<!tpu.dma_semaphore, #tpu.memory_space<semaphore_mem>>)
      %dma_wait3A = arith.constant 0 : i32
      %dma_wait3A_12 = tpu.memref_slice %arg10[%mul3A_2, %dma_wait3A] : memref<10240x128xf32, #tpu.memory_space<vmem_shared>> -> memref<640x128xf32, #tpu.memory_space<vmem_shared>>
      tpu.wait_dma2 semaphore(%run_scoped3A : memref<!tpu.dma_semaphore, #tpu.memory_space<semaphore_mem>>) src(%arg5 : memref<640x128xf32, #tpu.memory_space<hbm>>) dst(%dma_wait3A_12 : memref<640x128xf32, #tpu.memory_space<vmem_shared>>)
      tpu.yield
    }) : () -> ()
    "tpu.region"() ({
      %run_scoped3A = tpu.sem_alloc : memref<!tpu.dma_semaphore, #tpu.memory_space<semaphore_mem>>
      %dma_start3A = arith.constant 0 : i32
      %dma_start3A_11 = arith.constant 0 : i32
      %dma_start3A_12 = tpu.memref_slice %arg3[%add3A, %dma_start3A, %dma_start3A_11] : memref<32x80x128xi32, #tpu.memory_space<hbm>> -> memref<1x80x128xi32, #tpu.memory_space<hbm>>
      %dma_start3A_13 = tpu.memref_squeeze %dma_start3A_12 : memref<1x80x128xi32, #tpu.memory_space<hbm>> -> memref<80x128xi32, #tpu.memory_space<hbm>>
      %dma_start3A_14 = arith.constant 0 : i32
      %dma_start3A_15 = arith.constant 0 : i32
      %dma_start3A_16 = tpu.memref_slice %arg3[%add3A, %dma_start3A_14, %dma_start3A_15] : memref<32x80x128xi32, #tpu.memory_space<hbm>> -> memref<1x80x128xi32, #tpu.memory_space<hbm>>
      %dma_start3A_17 = tpu.memref_squeeze %dma_start3A_16 : memref<1x80x128xi32, #tpu.memory_space<hbm>> -> memref<80x128xi32, #tpu.memory_space<hbm>>
      tpu.enqueue_dma source(%dma_start3A_17 : memref<80x128xi32, #tpu.memory_space<hbm>>) target(%arg7 : memref<80x128xi32, #tpu.memory_space<vmem>>) target_semaphore(%run_scoped3A : memref<!tpu.dma_semaphore, #tpu.memory_space<semaphore_mem>>)
      %dma_wait3A = arith.constant 0 : i32
      %dma_wait3A_18 = arith.constant 0 : i32
      %dma_wait3A_19 = tpu.memref_slice %arg3[%add3A, %dma_wait3A, %dma_wait3A_18] : memref<32x80x128xi32, #tpu.memory_space<hbm>> -> memref<1x80x128xi32, #tpu.memory_space<hbm>>
      %dma_wait3A_20 = tpu.memref_squeeze %dma_wait3A_19 : memref<1x80x128xi32, #tpu.memory_space<hbm>> -> memref<80x128xi32, #tpu.memory_space<hbm>>
      %dma_wait3A_21 = arith.constant 0 : i32
      %dma_wait3A_22 = arith.constant 0 : i32
      %dma_wait3A_23 = tpu.memref_slice %arg3[%add3A, %dma_wait3A_21, %dma_wait3A_22] : memref<32x80x128xi32, #tpu.memory_space<hbm>> -> memref<1x80x128xi32, #tpu.memory_space<hbm>>
      %dma_wait3A_24 = tpu.memref_squeeze %dma_wait3A_23 : memref<1x80x128xi32, #tpu.memory_space<hbm>> -> memref<80x128xi32, #tpu.memory_space<hbm>>
      tpu.wait_dma2 semaphore(%run_scoped3A : memref<!tpu.dma_semaphore, #tpu.memory_space<semaphore_mem>>) src(%dma_wait3A_24 : memref<80x128xi32, #tpu.memory_space<hbm>>) dst(%arg7 : memref<80x128xi32, #tpu.memory_space<vmem>>)
      tpu.yield
    }) : () -> ()
    "tpu.region"() ({
      %run_scoped3A = tpu.sem_alloc : memref<!tpu.dma_semaphore, #tpu.memory_space<semaphore_mem>>
      %dma_start3A = arith.constant 0 : i32
      %dma_start3A_11 = arith.constant 0 : i32
      %dma_start3A_12 = tpu.memref_slice %arg4[%add3A, %dma_start3A, %dma_start3A_11] : memref<32x80x128xi32, #tpu.memory_space<hbm>> -> memref<1x80x128xi32, #tpu.memory_space<hbm>>
      %dma_start3A_13 = tpu.memref_squeeze %dma_start3A_12 : memref<1x80x128xi32, #tpu.memory_space<hbm>> -> memref<80x128xi32, #tpu.memory_space<hbm>>
      %dma_start3A_14 = arith.constant 0 : i32
      %dma_start3A_15 = arith.constant 0 : i32
      %dma_start3A_16 = tpu.memref_slice %arg4[%add3A, %dma_start3A_14, %dma_start3A_15] : memref<32x80x128xi32, #tpu.memory_space<hbm>> -> memref<1x80x128xi32, #tpu.memory_space<hbm>>
      %dma_start3A_17 = tpu.memref_squeeze %dma_start3A_16 : memref<1x80x128xi32, #tpu.memory_space<hbm>> -> memref<80x128xi32, #tpu.memory_space<hbm>>
      tpu.enqueue_dma source(%dma_start3A_17 : memref<80x128xi32, #tpu.memory_space<hbm>>) target(%arg8 : memref<80x128xi32, #tpu.memory_space<vmem>>) target_semaphore(%run_scoped3A : memref<!tpu.dma_semaphore, #tpu.memory_space<semaphore_mem>>)
      %dma_wait3A = arith.constant 0 : i32
      %dma_wait3A_18 = arith.constant 0 : i32
      %dma_wait3A_19 = tpu.memref_slice %arg4[%add3A, %dma_wait3A, %dma_wait3A_18] : memref<32x80x128xi32, #tpu.memory_space<hbm>> -> memref<1x80x128xi32, #tpu.memory_space<hbm>>
      %dma_wait3A_20 = tpu.memref_squeeze %dma_wait3A_19 : memref<1x80x128xi32, #tpu.memory_space<hbm>> -> memref<80x128xi32, #tpu.memory_space<hbm>>
      %dma_wait3A_21 = arith.constant 0 : i32
      %dma_wait3A_22 = arith.constant 0 : i32
      %dma_wait3A_23 = tpu.memref_slice %arg4[%add3A, %dma_wait3A_21, %dma_wait3A_22] : memref<32x80x128xi32, #tpu.memory_space<hbm>> -> memref<1x80x128xi32, #tpu.memory_space<hbm>>
      %dma_wait3A_24 = tpu.memref_squeeze %dma_wait3A_23 : memref<1x80x128xi32, #tpu.memory_space<hbm>> -> memref<80x128xi32, #tpu.memory_space<hbm>>
      tpu.wait_dma2 semaphore(%run_scoped3A : memref<!tpu.dma_semaphore, #tpu.memory_space<semaphore_mem>>) src(%dma_wait3A_24 : memref<80x128xi32, #tpu.memory_space<hbm>>) dst(%arg8 : memref<80x128xi32, #tpu.memory_space<vmem>>)
      tpu.yield
    }) : () -> ()
    %barrier3A = arith.constant 0 : index
    tpu.barrier barrier_id(%barrier3A)
    %scan3A = arith.constant 0 : i32
    %scan3A_3 = arith.constant 0 : i32
    %scan3A_4 = arith.constant 80 : i32
    %scan3A_5 = arith.addi %scan3A_3, %scan3A_4 : i32
    %scan3A_6 = arith.constant 1 : i32
    scf.for %scan3A_11 = %scan3A_3 to %scan3A_5 step %scan3A_6  : i32 {
      %dma_start3A = arith.constant 0 : i32
      %dma_start3A_12 = tpu.memref_slice %arg7[%scan3A_11, %dma_start3A] : memref<80x128xi32, #tpu.memory_space<vmem>> -> memref<1x128xi32, #tpu.memory_space<vmem>>
      %dma_start3A_13 = tpu.memref_squeeze %dma_start3A_12 : memref<1x128xi32, #tpu.memory_space<vmem>> -> memref<128xi32, #tpu.memory_space<vmem>>
      %dma_start3A_14 = arith.constant 0 : i32
      %dma_start3A_15 = arith.constant 0 : i32
      %dma_start3A_16 = tpu.memref_slice %arg2[%dma_start3A_14, %dma_start3A_15] : memref<10240x128xf32, #tpu.memory_space<hbm>> -> memref<10240x128xf32, #tpu.memory_space<hbm>>
      tpu.enqueue_indirect_dma source(%dma_start3A_16 : memref<10240x128xf32, #tpu.memory_space<hbm>>) target(%arg9 : memref<128x128xf32, #tpu.memory_space<vmem>>) offsets(%dma_start3A_13 : memref<128xi32, #tpu.memory_space<vmem>>) semaphore(%arg11 : memref<!tpu.dma_semaphore, #tpu.memory_space<semaphore_mem>>)
      %dma_wait3A = arith.constant 0 : i32
      %dma_wait3A_17 = tpu.memref_slice %arg7[%scan3A_11, %dma_wait3A] : memref<80x128xi32, #tpu.memory_space<vmem>> -> memref<1x128xi32, #tpu.memory_space<vmem>>
      %dma_wait3A_18 = tpu.memref_squeeze %dma_wait3A_17 : memref<1x128xi32, #tpu.memory_space<vmem>> -> memref<128xi32, #tpu.memory_space<vmem>>
      %dma_wait3A_19 = arith.constant 0 : i32
      %dma_wait3A_20 = arith.constant 0 : i32
      %dma_wait3A_21 = tpu.memref_slice %arg2[%dma_wait3A_19, %dma_wait3A_20] : memref<10240x128xf32, #tpu.memory_space<hbm>> -> memref<10240x128xf32, #tpu.memory_space<hbm>>
      tpu.wait_indirect_dma semaphore(%arg11 : memref<!tpu.dma_semaphore, #tpu.memory_space<semaphore_mem>>) src(%dma_wait3A_21 : memref<10240x128xf32, #tpu.memory_space<hbm>>) dst(%arg9 : memref<128x128xf32, #tpu.memory_space<vmem>>)
      "tpu.region"() ({
        %run_scoped3A = tpu.sem_alloc : memref<!tpu.dma_semaphore, #tpu.memory_space<semaphore_mem>>
        %dma_start3A_22 = arith.constant 0 : i32
        %dma_start3A_23 = tpu.memref_slice %arg8[%scan3A_11, %dma_start3A_22] : memref<80x128xi32, #tpu.memory_space<vmem>> -> memref<1x128xi32, #tpu.memory_space<vmem>>
        %dma_start3A_24 = tpu.memref_squeeze %dma_start3A_23 : memref<1x128xi32, #tpu.memory_space<vmem>> -> memref<128xi32, #tpu.memory_space<vmem>>
        %dma_start3A_25 = arith.constant 0 : i32
        %dma_start3A_26 = arith.constant 0 : i32
        %dma_start3A_27 = tpu.memref_slice %arg10[%dma_start3A_25, %dma_start3A_26] : memref<10240x128xf32, #tpu.memory_space<vmem_shared>> -> memref<10240x128xf32, #tpu.memory_space<vmem_shared>>
        tpu.enqueue_indirect_dma source(%arg9 : memref<128x128xf32, #tpu.memory_space<vmem>>) target(%dma_start3A_27 : memref<10240x128xf32, #tpu.memory_space<vmem_shared>>) offsets(%dma_start3A_24 : memref<128xi32, #tpu.memory_space<vmem>>) semaphore(%run_scoped3A : memref<!tpu.dma_semaphore, #tpu.memory_space<semaphore_mem>>) {add = true}
        %dma_wait3A_28 = arith.constant 0 : i32
        %dma_wait3A_29 = tpu.memref_slice %arg8[%scan3A_11, %dma_wait3A_28] : memref<80x128xi32, #tpu.memory_space<vmem>> -> memref<1x128xi32, #tpu.memory_space<vmem>>
        %dma_wait3A_30 = tpu.memref_squeeze %dma_wait3A_29 : memref<1x128xi32, #tpu.memory_space<vmem>> -> memref<128xi32, #tpu.memory_space<vmem>>
        %dma_wait3A_31 = arith.constant 0 : i32
        %dma_wait3A_32 = arith.constant 0 : i32
        %dma_wait3A_33 = tpu.memref_slice %arg10[%dma_wait3A_31, %dma_wait3A_32] : memref<10240x128xf32, #tpu.memory_space<vmem_shared>> -> memref<10240x128xf32, #tpu.memory_space<vmem_shared>>
        tpu.wait_indirect_dma semaphore(%run_scoped3A : memref<!tpu.dma_semaphore, #tpu.memory_space<semaphore_mem>>) src(%arg9 : memref<128x128xf32, #tpu.memory_space<vmem>>) dst(%dma_wait3A_33 : memref<10240x128xf32, #tpu.memory_space<vmem_shared>>)
        tpu.yield
      }) : () -> ()
    }
    %scan3A_7 = arith.constant 80 : i32
    %barrier3A_8 = arith.constant 0 : index
    tpu.barrier barrier_id(%barrier3A_8)
    %mul3A_9 = arith.constant 640 : i32
    %mul3A_10 = arith.muli %arg1, %mul3A_9 : i32
    "tpu.region"() ({
      %run_scoped3A = tpu.sem_alloc : memref<!tpu.dma_semaphore, #tpu.memory_space<semaphore_mem>>
      %dma_start3A = arith.constant 0 : i32
      %dma_start3A_11 = tpu.memref_slice %arg6[%arg0, %mul3A_10, %dma_start3A] : memref<2x10240x128xf32, #tpu.memory_space<hbm>> -> memref<1x640x128xf32, #tpu.memory_space<hbm>>
      %dma_start3A_12 = tpu.memref_squeeze %dma_start3A_11 : memref<1x640x128xf32, #tpu.memory_space<hbm>> -> memref<640x128xf32, #tpu.memory_space<hbm>>
      %dma_start3A_13 = arith.constant 0 : i32
      %dma_start3A_14 = tpu.memref_slice %arg10[%mul3A_10, %dma_start3A_13] : memref<10240x128xf32, #tpu.memory_space<vmem_shared>> -> memref<640x128xf32, #tpu.memory_space<vmem_shared>>
      tpu.enqueue_dma source(%dma_start3A_14 : memref<640x128xf32, #tpu.memory_space<vmem_shared>>) target(%dma_start3A_12 : memref<640x128xf32, #tpu.memory_space<hbm>>) target_semaphore(%run_scoped3A : memref<!tpu.dma_semaphore, #tpu.memory_space<semaphore_mem>>)
      %dma_wait3A = arith.constant 0 : i32
      %dma_wait3A_15 = tpu.memref_slice %arg6[%arg0, %mul3A_10, %dma_wait3A] : memref<2x10240x128xf32, #tpu.memory_space<hbm>> -> memref<1x640x128xf32, #tpu.memory_space<hbm>>
      %dma_wait3A_16 = tpu.memref_squeeze %dma_wait3A_15 : memref<1x640x128xf32, #tpu.memory_space<hbm>> -> memref<640x128xf32, #tpu.memory_space<hbm>>
      %dma_wait3A_17 = arith.constant 0 : i32
      %dma_wait3A_18 = tpu.memref_slice %arg10[%mul3A_10, %dma_wait3A_17] : memref<10240x128xf32, #tpu.memory_space<vmem_shared>> -> memref<640x128xf32, #tpu.memory_space<vmem_shared>>
      tpu.wait_dma2 semaphore(%run_scoped3A : memref<!tpu.dma_semaphore, #tpu.memory_space<semaphore_mem>>) src(%dma_wait3A_18 : memref<640x128xf32, #tpu.memory_space<vmem_shared>>) dst(%dma_wait3A_16 : memref<640x128xf32, #tpu.memory_space<hbm>>)
      tpu.yield
    }) : () -> ()
    return
  }
}

#map = affine_map<(d0, d1) -> (0, 0)>
#map1 = affine_map<(d0, d1) -> (0, 0, 0)>
module attributes {stable_mosaic.version = 14 : i64} {
  func.func @_sc_agg_body(%arg0: i32, %arg1: i32, %arg2: memref<10240x128xf32, #tpu.memory_space<hbm>>, %arg3: memref<32x80x128xi32, #tpu.memory_space<hbm>>, %arg4: memref<32x80x128xi32, #tpu.memory_space<hbm>>, %arg5: memref<640x128xf32, #tpu.memory_space<hbm>>, %arg6: memref<2x10240x128xf32, #tpu.memory_space<hbm>>, %arg7: memref<80x128xi32, #tpu.memory_space<vmem>>, %arg8: memref<80x128xi32, #tpu.memory_space<vmem>>, %arg9: memref<128x128xf32, #tpu.memory_space<vmem>>, %arg10: memref<10240x128xf32, #tpu.memory_space<vmem_shared>>, %arg11: memref<!tpu.dma_semaphore, #tpu.memory_space<semaphore_mem>>) attributes {dimension_semantics = [#tpu.dimension_semantics<core_parallel>, #tpu.dimension_semantics<subcore_parallel>], iteration_bounds = array<i64: 2, 16>, scalar_prefetch = 0 : i64, scratch_operands = 5 : i64, tpu.core_type = #tpu.core_type<sc_vector_subcore>, window_params = [{transform_indices = #map}, {transform_indices = #map1}, {transform_indices = #map1}, {transform_indices = #map}, {transform_indices = #map1}]} {
    %mul3A = arith.constant 16 : i32
    %mul3A_0 = arith.muli %arg0, %mul3A : i32
    %add3A = arith.addi %mul3A_0, %arg1 : i32
    %mul3A_1 = arith.constant 640 : i32
    %mul3A_2 = arith.muli %arg1, %mul3A_1 : i32
    "tpu.region"() ({
      %run_scoped3A = tpu.sem_alloc : memref<!tpu.dma_semaphore, #tpu.memory_space<semaphore_mem>>
      %dma_start3A = arith.constant 0 : i32
      %dma_start3A_11 = tpu.memref_slice %arg10[%mul3A_2, %dma_start3A] : memref<10240x128xf32, #tpu.memory_space<vmem_shared>> -> memref<640x128xf32, #tpu.memory_space<vmem_shared>>
      tpu.enqueue_dma source(%arg5 : memref<640x128xf32, #tpu.memory_space<hbm>>) target(%dma_start3A_11 : memref<640x128xf32, #tpu.memory_space<vmem_shared>>) target_semaphore(%run_scoped3A : memref<!tpu.dma_semaphore, #tpu.memory_space<semaphore_mem>>)
      %dma_wait3A = arith.constant 0 : i32
      %dma_wait3A_12 = tpu.memref_slice %arg10[%mul3A_2, %dma_wait3A] : memref<10240x128xf32, #tpu.memory_space<vmem_shared>> -> memref<640x128xf32, #tpu.memory_space<vmem_shared>>
      tpu.wait_dma2 semaphore(%run_scoped3A : memref<!tpu.dma_semaphore, #tpu.memory_space<semaphore_mem>>) src(%arg5 : memref<640x128xf32, #tpu.memory_space<hbm>>) dst(%dma_wait3A_12 : memref<640x128xf32, #tpu.memory_space<vmem_shared>>)
      tpu.yield
    }) : () -> ()
    "tpu.region"() ({
      %run_scoped3A = tpu.sem_alloc : memref<!tpu.dma_semaphore, #tpu.memory_space<semaphore_mem>>
      %dma_start3A = arith.constant 0 : i32
      %dma_start3A_11 = arith.constant 0 : i32
      %dma_start3A_12 = tpu.memref_slice %arg3[%add3A, %dma_start3A, %dma_start3A_11] : memref<32x80x128xi32, #tpu.memory_space<hbm>> -> memref<1x80x128xi32, #tpu.memory_space<hbm>>
      %dma_start3A_13 = tpu.memref_squeeze %dma_start3A_12 : memref<1x80x128xi32, #tpu.memory_space<hbm>> -> memref<80x128xi32, #tpu.memory_space<hbm>>
      %dma_start3A_14 = arith.constant 0 : i32
      %dma_start3A_15 = arith.constant 0 : i32
      %dma_start3A_16 = tpu.memref_slice %arg3[%add3A, %dma_start3A_14, %dma_start3A_15] : memref<32x80x128xi32, #tpu.memory_space<hbm>> -> memref<1x80x128xi32, #tpu.memory_space<hbm>>
      %dma_start3A_17 = tpu.memref_squeeze %dma_start3A_16 : memref<1x80x128xi32, #tpu.memory_space<hbm>> -> memref<80x128xi32, #tpu.memory_space<hbm>>
      tpu.enqueue_dma source(%dma_start3A_17 : memref<80x128xi32, #tpu.memory_space<hbm>>) target(%arg7 : memref<80x128xi32, #tpu.memory_space<vmem>>) target_semaphore(%run_scoped3A : memref<!tpu.dma_semaphore, #tpu.memory_space<semaphore_mem>>)
      %dma_wait3A = arith.constant 0 : i32
      %dma_wait3A_18 = arith.constant 0 : i32
      %dma_wait3A_19 = tpu.memref_slice %arg3[%add3A, %dma_wait3A, %dma_wait3A_18] : memref<32x80x128xi32, #tpu.memory_space<hbm>> -> memref<1x80x128xi32, #tpu.memory_space<hbm>>
      %dma_wait3A_20 = tpu.memref_squeeze %dma_wait3A_19 : memref<1x80x128xi32, #tpu.memory_space<hbm>> -> memref<80x128xi32, #tpu.memory_space<hbm>>
      %dma_wait3A_21 = arith.constant 0 : i32
      %dma_wait3A_22 = arith.constant 0 : i32
      %dma_wait3A_23 = tpu.memref_slice %arg3[%add3A, %dma_wait3A_21, %dma_wait3A_22] : memref<32x80x128xi32, #tpu.memory_space<hbm>> -> memref<1x80x128xi32, #tpu.memory_space<hbm>>
      %dma_wait3A_24 = tpu.memref_squeeze %dma_wait3A_23 : memref<1x80x128xi32, #tpu.memory_space<hbm>> -> memref<80x128xi32, #tpu.memory_space<hbm>>
      tpu.wait_dma2 semaphore(%run_scoped3A : memref<!tpu.dma_semaphore, #tpu.memory_space<semaphore_mem>>) src(%dma_wait3A_24 : memref<80x128xi32, #tpu.memory_space<hbm>>) dst(%arg7 : memref<80x128xi32, #tpu.memory_space<vmem>>)
      tpu.yield
    }) : () -> ()
    "tpu.region"() ({
      %run_scoped3A = tpu.sem_alloc : memref<!tpu.dma_semaphore, #tpu.memory_space<semaphore_mem>>
      %dma_start3A = arith.constant 0 : i32
      %dma_start3A_11 = arith.constant 0 : i32
      %dma_start3A_12 = tpu.memref_slice %arg4[%add3A, %dma_start3A, %dma_start3A_11] : memref<32x80x128xi32, #tpu.memory_space<hbm>> -> memref<1x80x128xi32, #tpu.memory_space<hbm>>
      %dma_start3A_13 = tpu.memref_squeeze %dma_start3A_12 : memref<1x80x128xi32, #tpu.memory_space<hbm>> -> memref<80x128xi32, #tpu.memory_space<hbm>>
      %dma_start3A_14 = arith.constant 0 : i32
      %dma_start3A_15 = arith.constant 0 : i32
      %dma_start3A_16 = tpu.memref_slice %arg4[%add3A, %dma_start3A_14, %dma_start3A_15] : memref<32x80x128xi32, #tpu.memory_space<hbm>> -> memref<1x80x128xi32, #tpu.memory_space<hbm>>
      %dma_start3A_17 = tpu.memref_squeeze %dma_start3A_16 : memref<1x80x128xi32, #tpu.memory_space<hbm>> -> memref<80x128xi32, #tpu.memory_space<hbm>>
      tpu.enqueue_dma source(%dma_start3A_17 : memref<80x128xi32, #tpu.memory_space<hbm>>) target(%arg8 : memref<80x128xi32, #tpu.memory_space<vmem>>) target_semaphore(%run_scoped3A : memref<!tpu.dma_semaphore, #tpu.memory_space<semaphore_mem>>)
      %dma_wait3A = arith.constant 0 : i32
      %dma_wait3A_18 = arith.constant 0 : i32
      %dma_wait3A_19 = tpu.memref_slice %arg4[%add3A, %dma_wait3A, %dma_wait3A_18] : memref<32x80x128xi32, #tpu.memory_space<hbm>> -> memref<1x80x128xi32, #tpu.memory_space<hbm>>
      %dma_wait3A_20 = tpu.memref_squeeze %dma_wait3A_19 : memref<1x80x128xi32, #tpu.memory_space<hbm>> -> memref<80x128xi32, #tpu.memory_space<hbm>>
      %dma_wait3A_21 = arith.constant 0 : i32
      %dma_wait3A_22 = arith.constant 0 : i32
      %dma_wait3A_23 = tpu.memref_slice %arg4[%add3A, %dma_wait3A_21, %dma_wait3A_22] : memref<32x80x128xi32, #tpu.memory_space<hbm>> -> memref<1x80x128xi32, #tpu.memory_space<hbm>>
      %dma_wait3A_24 = tpu.memref_squeeze %dma_wait3A_23 : memref<1x80x128xi32, #tpu.memory_space<hbm>> -> memref<80x128xi32, #tpu.memory_space<hbm>>
      tpu.wait_dma2 semaphore(%run_scoped3A : memref<!tpu.dma_semaphore, #tpu.memory_space<semaphore_mem>>) src(%dma_wait3A_24 : memref<80x128xi32, #tpu.memory_space<hbm>>) dst(%arg8 : memref<80x128xi32, #tpu.memory_space<vmem>>)
      tpu.yield
    }) : () -> ()
    %barrier3A = arith.constant 0 : index
    tpu.barrier barrier_id(%barrier3A)
    %scan3A = arith.constant 0 : i32
    %scan3A_3 = arith.constant 0 : i32
    %scan3A_4 = arith.constant 80 : i32
    %scan3A_5 = arith.addi %scan3A_3, %scan3A_4 : i32
    %scan3A_6 = arith.constant 1 : i32
    scf.for %scan3A_11 = %scan3A_3 to %scan3A_5 step %scan3A_6  : i32 {
      %dma_start3A = arith.constant 0 : i32
      %dma_start3A_12 = tpu.memref_slice %arg7[%scan3A_11, %dma_start3A] : memref<80x128xi32, #tpu.memory_space<vmem>> -> memref<1x128xi32, #tpu.memory_space<vmem>>
      %dma_start3A_13 = tpu.memref_squeeze %dma_start3A_12 : memref<1x128xi32, #tpu.memory_space<vmem>> -> memref<128xi32, #tpu.memory_space<vmem>>
      %dma_start3A_14 = arith.constant 0 : i32
      %dma_start3A_15 = arith.constant 0 : i32
      %dma_start3A_16 = tpu.memref_slice %arg2[%dma_start3A_14, %dma_start3A_15] : memref<10240x128xf32, #tpu.memory_space<hbm>> -> memref<10240x128xf32, #tpu.memory_space<hbm>>
      tpu.enqueue_indirect_dma source(%dma_start3A_16 : memref<10240x128xf32, #tpu.memory_space<hbm>>) target(%arg9 : memref<128x128xf32, #tpu.memory_space<vmem>>) offsets(%dma_start3A_13 : memref<128xi32, #tpu.memory_space<vmem>>) semaphore(%arg11 : memref<!tpu.dma_semaphore, #tpu.memory_space<semaphore_mem>>)
      %dma_wait3A = arith.constant 0 : i32
      %dma_wait3A_17 = tpu.memref_slice %arg7[%scan3A_11, %dma_wait3A] : memref<80x128xi32, #tpu.memory_space<vmem>> -> memref<1x128xi32, #tpu.memory_space<vmem>>
      %dma_wait3A_18 = tpu.memref_squeeze %dma_wait3A_17 : memref<1x128xi32, #tpu.memory_space<vmem>> -> memref<128xi32, #tpu.memory_space<vmem>>
      %dma_wait3A_19 = arith.constant 0 : i32
      %dma_wait3A_20 = arith.constant 0 : i32
      %dma_wait3A_21 = tpu.memref_slice %arg2[%dma_wait3A_19, %dma_wait3A_20] : memref<10240x128xf32, #tpu.memory_space<hbm>> -> memref<10240x128xf32, #tpu.memory_space<hbm>>
      tpu.wait_indirect_dma semaphore(%arg11 : memref<!tpu.dma_semaphore, #tpu.memory_space<semaphore_mem>>) src(%dma_wait3A_21 : memref<10240x128xf32, #tpu.memory_space<hbm>>) dst(%arg9 : memref<128x128xf32, #tpu.memory_space<vmem>>)
      "tpu.region"() ({
        %run_scoped3A = tpu.sem_alloc : memref<!tpu.dma_semaphore, #tpu.memory_space<semaphore_mem>>
        %dma_start3A_22 = arith.constant 0 : i32
        %dma_start3A_23 = tpu.memref_slice %arg8[%scan3A_11, %dma_start3A_22] : memref<80x128xi32, #tpu.memory_space<vmem>> -> memref<1x128xi32, #tpu.memory_space<vmem>>
        %dma_start3A_24 = tpu.memref_squeeze %dma_start3A_23 : memref<1x128xi32, #tpu.memory_space<vmem>> -> memref<128xi32, #tpu.memory_space<vmem>>
        %dma_start3A_25 = arith.constant 0 : i32
        %dma_start3A_26 = arith.constant 0 : i32
        %dma_start3A_27 = tpu.memref_slice %arg10[%dma_start3A_25, %dma_start3A_26] : memref<10240x128xf32, #tpu.memory_space<vmem_shared>> -> memref<10240x128xf32, #tpu.memory_space<vmem_shared>>
        tpu.enqueue_indirect_dma source(%arg9 : memref<128x128xf32, #tpu.memory_space<vmem>>) target(%dma_start3A_27 : memref<10240x128xf32, #tpu.memory_space<vmem_shared>>) offsets(%dma_start3A_24 : memref<128xi32, #tpu.memory_space<vmem>>) semaphore(%run_scoped3A : memref<!tpu.dma_semaphore, #tpu.memory_space<semaphore_mem>>) {add = true}
        %dma_wait3A_28 = arith.constant 0 : i32
        %dma_wait3A_29 = tpu.memref_slice %arg8[%scan3A_11, %dma_wait3A_28] : memref<80x128xi32, #tpu.memory_space<vmem>> -> memref<1x128xi32, #tpu.memory_space<vmem>>
        %dma_wait3A_30 = tpu.memref_squeeze %dma_wait3A_29 : memref<1x128xi32, #tpu.memory_space<vmem>> -> memref<128xi32, #tpu.memory_space<vmem>>
        %dma_wait3A_31 = arith.constant 0 : i32
        %dma_wait3A_32 = arith.constant 0 : i32
        %dma_wait3A_33 = tpu.memref_slice %arg10[%dma_wait3A_31, %dma_wait3A_32] : memref<10240x128xf32, #tpu.memory_space<vmem_shared>> -> memref<10240x128xf32, #tpu.memory_space<vmem_shared>>
        tpu.wait_indirect_dma semaphore(%run_scoped3A : memref<!tpu.dma_semaphore, #tpu.memory_space<semaphore_mem>>) src(%arg9 : memref<128x128xf32, #tpu.memory_space<vmem>>) dst(%dma_wait3A_33 : memref<10240x128xf32, #tpu.memory_space<vmem_shared>>)
        tpu.yield
      }) : () -> ()
    }
    %scan3A_7 = arith.constant 80 : i32
    %barrier3A_8 = arith.constant 0 : index
    tpu.barrier barrier_id(%barrier3A_8)
    %mul3A_9 = arith.constant 640 : i32
    %mul3A_10 = arith.muli %arg1, %mul3A_9 : i32
    "tpu.region"() ({
      %run_scoped3A = tpu.sem_alloc : memref<!tpu.dma_semaphore, #tpu.memory_space<semaphore_mem>>
      %dma_start3A = arith.constant 0 : i32
      %dma_start3A_11 = tpu.memref_slice %arg6[%arg0, %mul3A_10, %dma_start3A] : memref<2x10240x128xf32, #tpu.memory_space<hbm>> -> memref<1x640x128xf32, #tpu.memory_space<hbm>>
      %dma_start3A_12 = tpu.memref_squeeze %dma_start3A_11 : memref<1x640x128xf32, #tpu.memory_space<hbm>> -> memref<640x128xf32, #tpu.memory_space<hbm>>
      %dma_start3A_13 = arith.constant 0 : i32
      %dma_start3A_14 = tpu.memref_slice %arg10[%mul3A_10, %dma_start3A_13] : memref<10240x128xf32, #tpu.memory_space<vmem_shared>> -> memref<640x128xf32, #tpu.memory_space<vmem_shared>>
      tpu.enqueue_dma source(%dma_start3A_14 : memref<640x128xf32, #tpu.memory_space<vmem_shared>>) target(%dma_start3A_12 : memref<640x128xf32, #tpu.memory_space<hbm>>) target_semaphore(%run_scoped3A : memref<!tpu.dma_semaphore, #tpu.memory_space<semaphore_mem>>)
      %dma_wait3A = arith.constant 0 : i32
      %dma_wait3A_15 = tpu.memref_slice %arg6[%arg0, %mul3A_10, %dma_wait3A] : memref<2x10240x128xf32, #tpu.memory_space<hbm>> -> memref<1x640x128xf32, #tpu.memory_space<hbm>>
      %dma_wait3A_16 = tpu.memref_squeeze %dma_wait3A_15 : memref<1x640x128xf32, #tpu.memory_space<hbm>> -> memref<640x128xf32, #tpu.memory_space<hbm>>
      %dma_wait3A_17 = arith.constant 0 : i32
      %dma_wait3A_18 = tpu.memref_slice %arg10[%mul3A_10, %dma_wait3A_17] : memref<10240x128xf32, #tpu.memory_space<vmem_shared>> -> memref<640x128xf32, #tpu.memory_space<vmem_shared>>
      tpu.wait_dma2 semaphore(%run_scoped3A : memref<!tpu.dma_semaphore, #tpu.memory_space<semaphore_mem>>) src(%dma_wait3A_18 : memref<640x128xf32, #tpu.memory_space<vmem_shared>>) dst(%dma_wait3A_16 : memref<640x128xf32, #tpu.memory_space<hbm>>)
      tpu.yield
    }) : () -> ()
    return
  }
}

#map = affine_map<(d0, d1) -> (0, 0, 0)>
#map1 = affine_map<(d0, d1) -> (0, 0)>
module attributes {stable_mosaic.version = 14 : i64} {
  func.func @_sc_deg_body(%arg0: i32, %arg1: i32, %arg2: memref<32x80x128xi32, #tpu.memory_space<hbm>>, %arg3: memref<640x128xf32, #tpu.memory_space<hbm>>, %arg4: memref<128x128xf32, #tpu.memory_space<hbm>>, %arg5: memref<2x10240x128xf32, #tpu.memory_space<hbm>>, %arg6: memref<80x128xi32, #tpu.memory_space<vmem>>, %arg7: memref<128x128xf32, #tpu.memory_space<vmem>>, %arg8: memref<10240x128xf32, #tpu.memory_space<vmem_shared>>) attributes {dimension_semantics = [#tpu.dimension_semantics<core_parallel>, #tpu.dimension_semantics<subcore_parallel>], iteration_bounds = array<i64: 2, 16>, scalar_prefetch = 0 : i64, scratch_operands = 3 : i64, tpu.core_type = #tpu.core_type<sc_vector_subcore>, window_params = [{transform_indices = #map}, {transform_indices = #map1}, {transform_indices = #map1}, {transform_indices = #map}]} {
    %mul3A = arith.constant 16 : i32
    %mul3A_0 = arith.muli %arg0, %mul3A : i32
    %add3A = arith.addi %mul3A_0, %arg1 : i32
    %mul3A_1 = arith.constant 640 : i32
    %mul3A_2 = arith.muli %arg1, %mul3A_1 : i32
    "tpu.region"() ({
      %run_scoped3A = tpu.sem_alloc : memref<!tpu.dma_semaphore, #tpu.memory_space<semaphore_mem>>
      %dma_start3A = arith.constant 0 : i32
      %dma_start3A_11 = tpu.memref_slice %arg8[%mul3A_2, %dma_start3A] : memref<10240x128xf32, #tpu.memory_space<vmem_shared>> -> memref<640x128xf32, #tpu.memory_space<vmem_shared>>
      tpu.enqueue_dma source(%arg3 : memref<640x128xf32, #tpu.memory_space<hbm>>) target(%dma_start3A_11 : memref<640x128xf32, #tpu.memory_space<vmem_shared>>) target_semaphore(%run_scoped3A : memref<!tpu.dma_semaphore, #tpu.memory_space<semaphore_mem>>)
      %dma_wait3A = arith.constant 0 : i32
      %dma_wait3A_12 = tpu.memref_slice %arg8[%mul3A_2, %dma_wait3A] : memref<10240x128xf32, #tpu.memory_space<vmem_shared>> -> memref<640x128xf32, #tpu.memory_space<vmem_shared>>
      tpu.wait_dma2 semaphore(%run_scoped3A : memref<!tpu.dma_semaphore, #tpu.memory_space<semaphore_mem>>) src(%arg3 : memref<640x128xf32, #tpu.memory_space<hbm>>) dst(%dma_wait3A_12 : memref<640x128xf32, #tpu.memory_space<vmem_shared>>)
      tpu.yield
    }) : () -> ()
    "tpu.region"() ({
      %run_scoped3A = tpu.sem_alloc : memref<!tpu.dma_semaphore, #tpu.memory_space<semaphore_mem>>
      tpu.enqueue_dma source(%arg4 : memref<128x128xf32, #tpu.memory_space<hbm>>) target(%arg7 : memref<128x128xf32, #tpu.memory_space<vmem>>) target_semaphore(%run_scoped3A : memref<!tpu.dma_semaphore, #tpu.memory_space<semaphore_mem>>)
      tpu.wait_dma2 semaphore(%run_scoped3A : memref<!tpu.dma_semaphore, #tpu.memory_space<semaphore_mem>>) src(%arg4 : memref<128x128xf32, #tpu.memory_space<hbm>>) dst(%arg7 : memref<128x128xf32, #tpu.memory_space<vmem>>)
      tpu.yield
    }) : () -> ()
    "tpu.region"() ({
      %run_scoped3A = tpu.sem_alloc : memref<!tpu.dma_semaphore, #tpu.memory_space<semaphore_mem>>
      %dma_start3A = arith.constant 0 : i32
      %dma_start3A_11 = arith.constant 0 : i32
      %dma_start3A_12 = tpu.memref_slice %arg2[%add3A, %dma_start3A, %dma_start3A_11] : memref<32x80x128xi32, #tpu.memory_space<hbm>> -> memref<1x80x128xi32, #tpu.memory_space<hbm>>
      %dma_start3A_13 = tpu.memref_squeeze %dma_start3A_12 : memref<1x80x128xi32, #tpu.memory_space<hbm>> -> memref<80x128xi32, #tpu.memory_space<hbm>>
      %dma_start3A_14 = arith.constant 0 : i32
      %dma_start3A_15 = arith.constant 0 : i32
      %dma_start3A_16 = tpu.memref_slice %arg2[%add3A, %dma_start3A_14, %dma_start3A_15] : memref<32x80x128xi32, #tpu.memory_space<hbm>> -> memref<1x80x128xi32, #tpu.memory_space<hbm>>
      %dma_start3A_17 = tpu.memref_squeeze %dma_start3A_16 : memref<1x80x128xi32, #tpu.memory_space<hbm>> -> memref<80x128xi32, #tpu.memory_space<hbm>>
      tpu.enqueue_dma source(%dma_start3A_17 : memref<80x128xi32, #tpu.memory_space<hbm>>) target(%arg6 : memref<80x128xi32, #tpu.memory_space<vmem>>) target_semaphore(%run_scoped3A : memref<!tpu.dma_semaphore, #tpu.memory_space<semaphore_mem>>)
      %dma_wait3A = arith.constant 0 : i32
      %dma_wait3A_18 = arith.constant 0 : i32
      %dma_wait3A_19 = tpu.memref_slice %arg2[%add3A, %dma_wait3A, %dma_wait3A_18] : memref<32x80x128xi32, #tpu.memory_space<hbm>> -> memref<1x80x128xi32, #tpu.memory_space<hbm>>
      %dma_wait3A_20 = tpu.memref_squeeze %dma_wait3A_19 : memref<1x80x128xi32, #tpu.memory_space<hbm>> -> memref<80x128xi32, #tpu.memory_space<hbm>>
      %dma_wait3A_21 = arith.constant 0 : i32
      %dma_wait3A_22 = arith.constant 0 : i32
      %dma_wait3A_23 = tpu.memref_slice %arg2[%add3A, %dma_wait3A_21, %dma_wait3A_22] : memref<32x80x128xi32, #tpu.memory_space<hbm>> -> memref<1x80x128xi32, #tpu.memory_space<hbm>>
      %dma_wait3A_24 = tpu.memref_squeeze %dma_wait3A_23 : memref<1x80x128xi32, #tpu.memory_space<hbm>> -> memref<80x128xi32, #tpu.memory_space<hbm>>
      tpu.wait_dma2 semaphore(%run_scoped3A : memref<!tpu.dma_semaphore, #tpu.memory_space<semaphore_mem>>) src(%dma_wait3A_24 : memref<80x128xi32, #tpu.memory_space<hbm>>) dst(%arg6 : memref<80x128xi32, #tpu.memory_space<vmem>>)
      tpu.yield
    }) : () -> ()
    %barrier3A = arith.constant 0 : index
    tpu.barrier barrier_id(%barrier3A)
    %scan3A = arith.constant 0 : i32
    %scan3A_3 = arith.constant 0 : i32
    %scan3A_4 = arith.constant 80 : i32
    %scan3A_5 = arith.addi %scan3A_3, %scan3A_4 : i32
    %scan3A_6 = arith.constant 1 : i32
    scf.for %scan3A_11 = %scan3A_3 to %scan3A_5 step %scan3A_6  : i32 {
      "tpu.region"() ({
        %run_scoped3A = tpu.sem_alloc : memref<!tpu.dma_semaphore, #tpu.memory_space<semaphore_mem>>
        %dma_start3A = arith.constant 0 : i32
        %dma_start3A_12 = tpu.memref_slice %arg6[%scan3A_11, %dma_start3A] : memref<80x128xi32, #tpu.memory_space<vmem>> -> memref<1x128xi32, #tpu.memory_space<vmem>>
        %dma_start3A_13 = tpu.memref_squeeze %dma_start3A_12 : memref<1x128xi32, #tpu.memory_space<vmem>> -> memref<128xi32, #tpu.memory_space<vmem>>
        %dma_start3A_14 = arith.constant 0 : i32
        %dma_start3A_15 = arith.constant 0 : i32
        %dma_start3A_16 = tpu.memref_slice %arg8[%dma_start3A_14, %dma_start3A_15] : memref<10240x128xf32, #tpu.memory_space<vmem_shared>> -> memref<10240x128xf32, #tpu.memory_space<vmem_shared>>
        tpu.enqueue_indirect_dma source(%arg7 : memref<128x128xf32, #tpu.memory_space<vmem>>) target(%dma_start3A_16 : memref<10240x128xf32, #tpu.memory_space<vmem_shared>>) offsets(%dma_start3A_13 : memref<128xi32, #tpu.memory_space<vmem>>) semaphore(%run_scoped3A : memref<!tpu.dma_semaphore, #tpu.memory_space<semaphore_mem>>) {add = true}
        %dma_wait3A = arith.constant 0 : i32
        %dma_wait3A_17 = tpu.memref_slice %arg6[%scan3A_11, %dma_wait3A] : memref<80x128xi32, #tpu.memory_space<vmem>> -> memref<1x128xi32, #tpu.memory_space<vmem>>
        %dma_wait3A_18 = tpu.memref_squeeze %dma_wait3A_17 : memref<1x128xi32, #tpu.memory_space<vmem>> -> memref<128xi32, #tpu.memory_space<vmem>>
        %dma_wait3A_19 = arith.constant 0 : i32
        %dma_wait3A_20 = arith.constant 0 : i32
        %dma_wait3A_21 = tpu.memref_slice %arg8[%dma_wait3A_19, %dma_wait3A_20] : memref<10240x128xf32, #tpu.memory_space<vmem_shared>> -> memref<10240x128xf32, #tpu.memory_space<vmem_shared>>
        tpu.wait_indirect_dma semaphore(%run_scoped3A : memref<!tpu.dma_semaphore, #tpu.memory_space<semaphore_mem>>) src(%arg7 : memref<128x128xf32, #tpu.memory_space<vmem>>) dst(%dma_wait3A_21 : memref<10240x128xf32, #tpu.memory_space<vmem_shared>>)
        tpu.yield
      }) : () -> ()
    }
    %scan3A_7 = arith.constant 80 : i32
    %barrier3A_8 = arith.constant 0 : index
    tpu.barrier barrier_id(%barrier3A_8)
    %mul3A_9 = arith.constant 640 : i32
    %mul3A_10 = arith.muli %arg1, %mul3A_9 : i32
    "tpu.region"() ({
      %run_scoped3A = tpu.sem_alloc : memref<!tpu.dma_semaphore, #tpu.memory_space<semaphore_mem>>
      %dma_start3A = arith.constant 0 : i32
      %dma_start3A_11 = tpu.memref_slice %arg5[%arg0, %mul3A_10, %dma_start3A] : memref<2x10240x128xf32, #tpu.memory_space<hbm>> -> memref<1x640x128xf32, #tpu.memory_space<hbm>>
      %dma_start3A_12 = tpu.memref_squeeze %dma_start3A_11 : memref<1x640x128xf32, #tpu.memory_space<hbm>> -> memref<640x128xf32, #tpu.memory_space<hbm>>
      %dma_start3A_13 = arith.constant 0 : i32
      %dma_start3A_14 = tpu.memref_slice %arg8[%mul3A_10, %dma_start3A_13] : memref<10240x128xf32, #tpu.memory_space<vmem_shared>> -> memref<640x128xf32, #tpu.memory_space<vmem_shared>>
      tpu.enqueue_dma source(%dma_start3A_14 : memref<640x128xf32, #tpu.memory_space<vmem_shared>>) target(%dma_start3A_12 : memref<640x128xf32, #tpu.memory_space<hbm>>) target_semaphore(%run_scoped3A : memref<!tpu.dma_semaphore, #tpu.memory_space<semaphore_mem>>)
      %dma_wait3A = arith.constant 0 : i32
      %dma_wait3A_15 = tpu.memref_slice %arg5[%arg0, %mul3A_10, %dma_wait3A] : memref<2x10240x128xf32, #tpu.memory_space<hbm>> -> memref<1x640x128xf32, #tpu.memory_space<hbm>>
      %dma_wait3A_16 = tpu.memref_squeeze %dma_wait3A_15 : memref<1x640x128xf32, #tpu.memory_space<hbm>> -> memref<640x128xf32, #tpu.memory_space<hbm>>
      %dma_wait3A_17 = arith.constant 0 : i32
      %dma_wait3A_18 = tpu.memref_slice %arg8[%mul3A_10, %dma_wait3A_17] : memref<10240x128xf32, #tpu.memory_space<vmem_shared>> -> memref<640x128xf32, #tpu.memory_space<vmem_shared>>
      tpu.wait_dma2 semaphore(%run_scoped3A : memref<!tpu.dma_semaphore, #tpu.memory_space<semaphore_mem>>) src(%dma_wait3A_18 : memref<640x128xf32, #tpu.memory_space<vmem_shared>>) dst(%dma_wait3A_16 : memref<640x128xf32, #tpu.memory_space<hbm>>)
      tpu.yield
    }) : () -> ()
    return
  }
}

module attributes {stable_mosaic.version = 14 : i64} {
  func.func @_tc1_body(%arg0: i32, %arg1: memref<1x128x128xf32, #tpu.memory_space<vmem>>, %arg2: memref<1x128x128xf32, #tpu.memory_space<vmem>>, %arg3: memref<1x128x128xf32, #tpu.memory_space<vmem>>, %arg4: memref<1x128x128xf32, #tpu.memory_space<vmem>>, %arg5: memref<128x128xf32, #tpu.memory_space<vmem>>, %arg6: memref<128x128xf32, #tpu.memory_space<vmem>>, %arg7: memref<1x128xf32, #tpu.memory_space<vmem>>, %arg8: memref<1x1x128xi32, #tpu.memory_space<vmem>>, %arg9: memref<128x128xf32, #tpu.memory_space<vmem>>, %arg10: memref<16x128xf32, #tpu.memory_space<vmem>>) attributes {dimension_semantics = [#tpu.dimension_semantics<arbitrary>], iteration_bounds = array<i64: 80>, scalar_prefetch = 0 : i64, scratch_operands = 0 : i64, tpu.core_type = #tpu.core_type<tc>, window_params = [{transform_indices = @transform_0, window_bounds = array<i64: 1, 128, 128>}, {transform_indices = @transform_1, window_bounds = array<i64: 1, 128, 128>}, {transform_indices = @transform_2, window_bounds = array<i64: 1, 128, 128>}, {transform_indices = @transform_3, window_bounds = array<i64: 1, 128, 128>}, {transform_indices = @transform_4, window_bounds = array<i64: 128, 128>}, {pipeline_mode = #tpu.pipeline_mode<synchronous>, transform_indices = @transform_5, window_bounds = array<i64: 128, 128>}, {pipeline_mode = #tpu.pipeline_mode<synchronous>, transform_indices = @transform_6, window_bounds = array<i64: 1, 128>}, {transform_indices = @transform_7, window_bounds = array<i64: 1, 1, 128>}, {transform_indices = @transform_8, window_bounds = array<i64: 128, 128>}, {pipeline_mode = #tpu.pipeline_mode<synchronous>, transform_indices = @transform_9, window_bounds = array<i64: 16, 128>}]} {
    %get3A = arith.constant 0 : index
    %get3A_0 = arith.constant 0 : index
    %get3A_1 = arith.constant 0 : index
    %get3A_2 = vector.load %arg1[%get3A, %get3A_0, %get3A_1] : memref<1x128x128xf32, #tpu.memory_space<vmem>>, vector<1x128x128xf32>
    %get3A_3 = vector.shape_cast %get3A_2 : vector<1x128x128xf32> to vector<128x128xf32>
    %get3A_4 = arith.constant 0 : index
    %get3A_5 = arith.constant 0 : index
    %get3A_6 = arith.constant 0 : index
    %get3A_7 = vector.load %arg2[%get3A_4, %get3A_5, %get3A_6] : memref<1x128x128xf32, #tpu.memory_space<vmem>>, vector<1x128x128xf32>
    %get3A_8 = vector.shape_cast %get3A_7 : vector<1x128x128xf32> to vector<128x128xf32>
    %add3A = arith.addf %get3A_3, %get3A_8 : vector<128x128xf32>
    %get3A_9 = arith.constant 0 : index
    %get3A_10 = arith.constant 0 : index
    %get3A_11 = vector.load %arg5[%get3A_9, %get3A_10] : memref<128x128xf32, #tpu.memory_space<vmem>>, vector<128x128xf32>
    %add3A_12 = arith.addf %add3A, %get3A_11 : vector<128x128xf32>
    %get3A_13 = arith.constant 0 : index
    %get3A_14 = arith.constant 0 : index
    %get3A_15 = arith.constant 0 : index
    %get3A_16 = vector.load %arg3[%get3A_13, %get3A_14, %get3A_15] : memref<1x128x128xf32, #tpu.memory_space<vmem>>, vector<1x128x128xf32>
    %get3A_17 = vector.shape_cast %get3A_16 : vector<1x128x128xf32> to vector<128x128xf32>
    %slice3A = vector.extract_strided_slice %get3A_17 {offsets = [0, 0], sizes = [128, 1], strides = [1, 1]} : vector<128x128xf32> to vector<128x1xf32>
    %get3A_18 = arith.constant 0 : index
    %get3A_19 = arith.constant 0 : index
    %get3A_20 = arith.constant 0 : index
    %get3A_21 = vector.load %arg4[%get3A_18, %get3A_19, %get3A_20] : memref<1x128x128xf32, #tpu.memory_space<vmem>>, vector<1x128x128xf32>
    %get3A_22 = vector.shape_cast %get3A_21 : vector<1x128x128xf32> to vector<128x128xf32>
    %slice3A_23 = vector.extract_strided_slice %get3A_22 {offsets = [0, 0], sizes = [128, 1], strides = [1, 1]} : vector<128x128xf32> to vector<128x1xf32>
    %add3A_24 = arith.addf %slice3A, %slice3A_23 : vector<128x1xf32>
    %add3A_25 = arith.constant 1.000000e+00 : f32
    %add3A_26 = vector.broadcast %add3A_25 : f32 to vector<128x1xf32>
    %add3A_27 = arith.addf %add3A_24, %add3A_26 : vector<128x1xf32>
    %div3A = vector.broadcast %add3A_27 : vector<128x1xf32> to vector<128x128xf32>
    %div3A_28 = arith.divf %add3A_12, %div3A : vector<128x128xf32>
    %get3A_29 = arith.constant 0 : index
    %get3A_30 = arith.constant 0 : index
    %get3A_31 = vector.load %arg6[%get3A_29, %get3A_30] : memref<128x128xf32, #tpu.memory_space<vmem>>, vector<128x128xf32>
    %dot_general3A = arith.constant dense<0.000000e+00> : vector<128x128xf32>
    %dot_general3A_32 = tpu.matmul %div3A_28, %get3A_31, %dot_general3A {dimension_numbers = #tpu.dot_dimension_numbers<[1], [0], [0], [1], [0, 0, 1, 1], [], []>, transpose_lhs_hint = false} : vector<128x128xf32>, vector<128x128xf32>, vector<128x128xf32> -> vector<128x128xf32>
    %get3A_33 = arith.constant 0 : index
    %get3A_34 = arith.constant 0 : index
    %get3A_35 = vector.load %arg7[%get3A_33, %get3A_34] : memref<1x128xf32, #tpu.memory_space<vmem>>, vector<1x128xf32>
    %add3A_36 = vector.broadcast %get3A_35 : vector<1x128xf32> to vector<128x128xf32>
    %add3A_37 = arith.addf %dot_general3A_32, %add3A_36 : vector<128x128xf32>
    %max3A = arith.constant 0.000000e+00 : f32
    %max3A_38 = vector.broadcast %max3A : f32 to vector<128x128xf32>
    %max3A_39 = arith.maximumf %add3A_37, %max3A_38 : vector<128x128xf32>
    %swap3A = arith.constant 0 : index
    %swap3A_40 = arith.constant 0 : index
    %swap3A_41 = vector.load %arg9[%swap3A, %swap3A_40] : memref<128x128xf32, #tpu.memory_space<vmem>>, vector<128x128xf32>
    tpu.vector_store %arg9[%swap3A, %swap3A_40], %max3A_39 {strides = array<i32>} : memref<128x128xf32, #tpu.memory_space<vmem>>, vector<128x128xf32>,
    %iota3A = tpu.iota {dimensions = array<i32: 0>} : vector<16x128xi32>
    %get3A_42 = arith.constant 0 : index
    %get3A_43 = arith.constant 0 : index
    %get3A_44 = arith.constant 0 : index
    %get3A_45 = vector.load %arg8[%get3A_42, %get3A_43, %get3A_44] : memref<1x1x128xi32, #tpu.memory_space<vmem>>, vector<1x1x128xi32>
    %get3A_46 = vector.shape_cast %get3A_45 : vector<1x1x128xi32> to vector<1x128xi32>
    %eq3A = vector.broadcast %get3A_46 : vector<1x128xi32> to vector<16x128xi32>
    %eq3A_47 = arith.cmpi eq, %eq3A, %iota3A : vector<16x128xi32>
    %convert_element_type3A = arith.extui %eq3A_47 : vector<16x128xi1> to vector<16x128xi32>
    %convert_element_type3A_48 = arith.sitofp %convert_element_type3A : vector<16x128xi32> to vector<16x128xf32>
    %eq3A_49 = arith.constant 0 : i32
    %eq3A_50 = arith.cmpi eq, %arg0, %eq3A_49 : i32
    %convert_element_type3A_51 = arith.extui %eq3A_50 : i1 to i32
    %cond3A = arith.constant 0 : i32
    %cond3A_52 = arith.cmpi ne, %convert_element_type3A_51, %cond3A : i32
    scf.if %cond3A_52 {
      %swap3A_57 = arith.constant 0 : index
      %swap3A_58 = arith.constant 0 : index
      %swap3A_59 = vector.load %arg10[%swap3A_57, %swap3A_58] : memref<16x128xf32, #tpu.memory_space<vmem>>, vector<16x128xf32>
      tpu.vector_store %arg10[%swap3A_57, %swap3A_58], %convert_element_type3A_48 {strides = array<i32>} : memref<16x128xf32, #tpu.memory_space<vmem>>, vector<16x128xf32>,
    } else {
    }
    %ne3A = arith.constant 0 : i32
    %ne3A_53 = arith.cmpi ne, %arg0, %ne3A : i32
    %convert_element_type3A_54 = arith.extui %ne3A_53 : i1 to i32
    %cond3A_55 = arith.constant 0 : i32
    %cond3A_56 = arith.cmpi ne, %convert_element_type3A_54, %cond3A_55 : i32
    scf.if %cond3A_56 {
      %get3A_57 = arith.constant 0 : index
      %get3A_58 = arith.constant 0 : index
      %get3A_59 = vector.load %arg10[%get3A_57, %get3A_58] : memref<16x128xf32, #tpu.memory_space<vmem>>, vector<16x128xf32>
      %add3A_60 = arith.addf %get3A_59, %convert_element_type3A_48 : vector<16x128xf32>
      %swap3A_61 = arith.constant 0 : index
      %swap3A_62 = arith.constant 0 : index
      %swap3A_63 = vector.load %arg10[%swap3A_61, %swap3A_62] : memref<16x128xf32, #tpu.memory_space<vmem>>, vector<16x128xf32>
      tpu.vector_store %arg10[%swap3A_61, %swap3A_62], %add3A_60 {strides = array<i32>} : memref<16x128xf32, #tpu.memory_space<vmem>>, vector<16x128xf32>,
    } else {
    }
    return
  }
  func.func @transform_0(%arg0: i32) -> (i32, i32, i32) {
    %c0_i32 = arith.constant 0 : i32
    %c0_i32_0 = arith.constant 0 : i32
    %c0_i32_1 = arith.constant 0 : i32
    return %c0_i32, %arg0, %c0_i32_0 : i32, i32, i32
  }
  func.func @transform_1(%arg0: i32) -> (i32, i32, i32) {
    %c1_i32 = arith.constant 1 : i32
    %c0_i32 = arith.constant 0 : i32
    %c0_i32_0 = arith.constant 0 : i32
    return %c1_i32, %arg0, %c0_i32 : i32, i32, i32
  }
  func.func @transform_2(%arg0: i32) -> (i32, i32, i32) {
    %c0_i32 = arith.constant 0 : i32
    %c0_i32_0 = arith.constant 0 : i32
    %c0_i32_1 = arith.constant 0 : i32
    return %c0_i32, %arg0, %c0_i32_0 : i32, i32, i32
  }
  func.func @transform_3(%arg0: i32) -> (i32, i32, i32) {
    %c1_i32 = arith.constant 1 : i32
    %c0_i32 = arith.constant 0 : i32
    %c0_i32_0 = arith.constant 0 : i32
    return %c1_i32, %arg0, %c0_i32 : i32, i32, i32
  }
  func.func @transform_4(%arg0: i32) -> (i32, i32) {
    %c0_i32 = arith.constant 0 : i32
    %c0_i32_0 = arith.constant 0 : i32
    return %arg0, %c0_i32 : i32, i32
  }
  func.func @transform_5(%arg0: i32) -> (i32, i32) {
    %c0_i32 = arith.constant 0 : i32
    %c0_i32_0 = arith.constant 0 : i32
    %c0_i32_1 = arith.constant 0 : i32
    return %c0_i32, %c0_i32_0 : i32, i32
  }
  func.func @transform_6(%arg0: i32) -> (i32, i32) {
    %c0_i32 = arith.constant 0 : i32
    %c0_i32_0 = arith.constant 0 : i32
    %c0_i32_1 = arith.constant 0 : i32
    return %c0_i32, %c0_i32_0 : i32, i32
  }
  func.func @transform_7(%arg0: i32) -> (i32, i32, i32) {
    %c0_i32 = arith.constant 0 : i32
    %c0_i32_0 = arith.constant 0 : i32
    %c0_i32_1 = arith.constant 0 : i32
    return %arg0, %c0_i32, %c0_i32_0 : i32, i32, i32
  }
  func.func @transform_8(%arg0: i32) -> (i32, i32) {
    %c0_i32 = arith.constant 0 : i32
    %c0_i32_0 = arith.constant 0 : i32
    return %arg0, %c0_i32 : i32, i32
  }
  func.func @transform_9(%arg0: i32) -> (i32, i32) {
    %c0_i32 = arith.constant 0 : i32
    %c0_i32_0 = arith.constant 0 : i32
    %c0_i32_1 = arith.constant 0 : i32
    return %c0_i32, %c0_i32_0 : i32, i32
  }
}

module attributes {stable_mosaic.version = 14 : i64} {
  func.func @_tc2_body(%arg0: i32, %arg1: memref<1x128x128xf32, #tpu.memory_space<vmem>>, %arg2: memref<1x128x128xf32, #tpu.memory_space<vmem>>, %arg3: memref<1x128x128xf32, #tpu.memory_space<vmem>>, %arg4: memref<1x128x128xf32, #tpu.memory_space<vmem>>, %arg5: memref<128x128xf32, #tpu.memory_space<vmem>>, %arg6: memref<128x128xf32, #tpu.memory_space<vmem>>, %arg7: memref<1x128xf32, #tpu.memory_space<vmem>>, %arg8: memref<128x64xf32, #tpu.memory_space<vmem>>, %arg9: memref<1x64xf32, #tpu.memory_space<vmem>>, %arg10: memref<64x1xf32, #tpu.memory_space<vmem>>, %arg11: memref<1x1xf32, #tpu.memory_space<vmem>>, %arg12: memref<128x64xf32, #tpu.memory_space<vmem>>, %arg13: memref<1x64xf32, #tpu.memory_space<vmem>>, %arg14: memref<64x16xf32, #tpu.memory_space<vmem>>, %arg15: memref<1x16xf32, #tpu.memory_space<vmem>>, %arg16: memref<128x128xf32, #tpu.memory_space<vmem>>, %arg17: memref<1x128xf32, #tpu.memory_space<vmem>>, %arg18: memref<128x1xf32, #tpu.memory_space<vmem>>, %arg19: memref<1x1xf32, #tpu.memory_space<vmem>>, %arg20: memref<1x16xf32, #tpu.memory_space<vmem>>, %arg21: memref<128x1xi32, #tpu.memory_space<vmem>>, %arg22: memref<128x1xf32, #tpu.memory_space<vmem>>, %arg23: memref<128x16xf32, #tpu.memory_space<vmem>>, %arg24: memref<8x128xf32, #tpu.memory_space<vmem>>, %arg25: memref<8x128xf32, #tpu.memory_space<vmem>>) attributes {dimension_semantics = [#tpu.dimension_semantics<arbitrary>], iteration_bounds = array<i64: 80>, scalar_prefetch = 0 : i64, scratch_operands = 1 : i64, tpu.core_type = #tpu.core_type<tc>, window_params = [{transform_indices = @transform_0, window_bounds = array<i64: 1, 128, 128>}, {transform_indices = @transform_1, window_bounds = array<i64: 1, 128, 128>}, {transform_indices = @transform_2, window_bounds = array<i64: 1, 128, 128>}, {transform_indices = @transform_3, window_bounds = array<i64: 1, 128, 128>}, {transform_indices = @transform_4, window_bounds = array<i64: 128, 128>}, {pipeline_mode = #tpu.pipeline_mode<synchronous>, transform_indices = @transform_5, window_bounds = array<i64: 128, 128>}, {pipeline_mode = #tpu.pipeline_mode<synchronous>, transform_indices = @transform_6, window_bounds = array<i64: 1, 128>}, {pipeline_mode = #tpu.pipeline_mode<synchronous>, transform_indices = @transform_7, window_bounds = array<i64: 128, 64>}, {pipeline_mode = #tpu.pipeline_mode<synchronous>, transform_indices = @transform_8, window_bounds = array<i64: 1, 64>}, {pipeline_mode = #tpu.pipeline_mode<synchronous>, transform_indices = @transform_9, window_bounds = array<i64: 64, 1>}, {pipeline_mode = #tpu.pipeline_mode<synchronous>, transform_indices = @transform_10, window_bounds = array<i64: 1, 1>}, {pipeline_mode = #tpu.pipeline_mode<synchronous>, transform_indices = @transform_11, window_bounds = array<i64: 128, 64>}, {pipeline_mode = #tpu.pipeline_mode<synchronous>, transform_indices = @transform_12, window_bounds = array<i64: 1, 64>}, {pipeline_mode = #tpu.pipeline_mode<synchronous>, transform_indices = @transform_13, window_bounds = array<i64: 64, 16>}, {pipeline_mode = #tpu.pipeline_mode<synchronous>, transform_indices = @transform_14, window_bounds = array<i64: 1, 16>}, {pipeline_mode = #tpu.pipeline_mode<synchronous>, transform_indices = @transform_15, window_bounds = array<i64: 128, 128>}, {pipeline_mode = #tpu.pipeline_mode<synchronous>, transform_indices = @transform_16, window_bounds = array<i64: 1, 128>}, {pipeline_mode = #tpu.pipeline_mode<synchronous>, transform_indices = @transform_17, window_bounds = array<i64: 128, 1>}, {pipeline_mode = #tpu.pipeline_mode<synchronous>, transform_indices = @transform_18, window_bounds = array<i64: 1, 1>}, {pipeline_mode = #tpu.pipeline_mode<synchronous>, transform_indices = @transform_19, window_bounds = array<i64: 1, 16>}, {transform_indices = @transform_20, window_bounds = array<i64: 128, 1>}, {transform_indices = @transform_21, window_bounds = array<i64: 128, 1>}, {transform_indices = @transform_22, window_bounds = array<i64: 128, 16>}, {pipeline_mode = #tpu.pipeline_mode<synchronous>, transform_indices = @transform_23, window_bounds = array<i64: 8, 128>}]} {
    %get3A = arith.constant 0 : index
    %get3A_0 = arith.constant 0 : index
    %get3A_1 = arith.constant 0 : index
    %get3A_2 = vector.load %arg1[%get3A, %get3A_0, %get3A_1] : memref<1x128x128xf32, #tpu.memory_space<vmem>>, vector<1x128x128xf32>
    %get3A_3 = vector.shape_cast %get3A_2 : vector<1x128x128xf32> to vector<128x128xf32>
    %get3A_4 = arith.constant 0 : index
    %get3A_5 = arith.constant 0 : index
    %get3A_6 = arith.constant 0 : index
    %get3A_7 = vector.load %arg2[%get3A_4, %get3A_5, %get3A_6] : memref<1x128x128xf32, #tpu.memory_space<vmem>>, vector<1x128x128xf32>
    %get3A_8 = vector.shape_cast %get3A_7 : vector<1x128x128xf32> to vector<128x128xf32>
    %add3A = arith.addf %get3A_3, %get3A_8 : vector<128x128xf32>
    %get3A_9 = arith.constant 0 : index
    %get3A_10 = arith.constant 0 : index
    %get3A_11 = vector.load %arg5[%get3A_9, %get3A_10] : memref<128x128xf32, #tpu.memory_space<vmem>>, vector<128x128xf32>
    %add3A_12 = arith.addf %add3A, %get3A_11 : vector<128x128xf32>
    %get3A_13 = arith.constant 0 : index
    %get3A_14 = arith.constant 0 : index
    %get3A_15 = arith.constant 0 : index
    %get3A_16 = vector.load %arg3[%get3A_13, %get3A_14, %get3A_15] : memref<1x128x128xf32, #tpu.memory_space<vmem>>, vector<1x128x128xf32>
    %get3A_17 = vector.shape_cast %get3A_16 : vector<1x128x128xf32> to vector<128x128xf32>
    %slice3A = vector.extract_strided_slice %get3A_17 {offsets = [0, 0], sizes = [128, 1], strides = [1, 1]} : vector<128x128xf32> to vector<128x1xf32>
    %get3A_18 = arith.constant 0 : index
    %get3A_19 = arith.constant 0 : index
    %get3A_20 = arith.constant 0 : index
    %get3A_21 = vector.load %arg4[%get3A_18, %get3A_19, %get3A_20] : memref<1x128x128xf32, #tpu.memory_space<vmem>>, vector<1x128x128xf32>
    %get3A_22 = vector.shape_cast %get3A_21 : vector<1x128x128xf32> to vector<128x128xf32>
    %slice3A_23 = vector.extract_strided_slice %get3A_22 {offsets = [0, 0], sizes = [128, 1], strides = [1, 1]} : vector<128x128xf32> to vector<128x1xf32>
    %add3A_24 = arith.addf %slice3A, %slice3A_23 : vector<128x1xf32>
    %add3A_25 = arith.constant 1.000000e+00 : f32
    %add3A_26 = vector.broadcast %add3A_25 : f32 to vector<128x1xf32>
    %add3A_27 = arith.addf %add3A_24, %add3A_26 : vector<128x1xf32>
    %div3A = vector.broadcast %add3A_27 : vector<128x1xf32> to vector<128x128xf32>
    %div3A_28 = arith.divf %add3A_12, %div3A : vector<128x128xf32>
    %get3A_29 = arith.constant 0 : index
    %get3A_30 = arith.constant 0 : index
    %get3A_31 = vector.load %arg6[%get3A_29, %get3A_30] : memref<128x128xf32, #tpu.memory_space<vmem>>, vector<128x128xf32>
    %dot_general3A = arith.constant dense<0.000000e+00> : vector<128x128xf32>
    %dot_general3A_32 = tpu.matmul %div3A_28, %get3A_31, %dot_general3A {dimension_numbers = #tpu.dot_dimension_numbers<[1], [0], [0], [1], [0, 0, 1, 1], [], []>, transpose_lhs_hint = false} : vector<128x128xf32>, vector<128x128xf32>, vector<128x128xf32> -> vector<128x128xf32>
    %get3A_33 = arith.constant 0 : index
    %get3A_34 = arith.constant 0 : index
    %get3A_35 = vector.load %arg7[%get3A_33, %get3A_34] : memref<1x128xf32, #tpu.memory_space<vmem>>, vector<1x128xf32>
    %add3A_36 = vector.broadcast %get3A_35 : vector<1x128xf32> to vector<128x128xf32>
    %add3A_37 = arith.addf %dot_general3A_32, %add3A_36 : vector<128x128xf32>
    %get3A_38 = arith.constant 0 : index
    %get3A_39 = arith.constant 0 : index
    %get3A_40 = vector.load %arg8[%get3A_38, %get3A_39] : memref<128x64xf32, #tpu.memory_space<vmem>>, vector<128x64xf32>
    %dot_general3A_41 = arith.constant dense<0.000000e+00> : vector<128x64xf32>
    %dot_general3A_42 = tpu.matmul %add3A_37, %get3A_40, %dot_general3A_41 {dimension_numbers = #tpu.dot_dimension_numbers<[1], [0], [0], [1], [0, 0, 1, 1], [], []>, transpose_lhs_hint = false} : vector<128x128xf32>, vector<128x64xf32>, vector<128x64xf32> -> vector<128x64xf32>
    %get3A_43 = arith.constant 0 : index
    %get3A_44 = arith.constant 0 : index
    %get3A_45 = vector.load %arg9[%get3A_43, %get3A_44] : memref<1x64xf32, #tpu.memory_space<vmem>>, vector<1x64xf32>
    %add3A_46 = vector.broadcast %get3A_45 : vector<1x64xf32> to vector<128x64xf32>
    %add3A_47 = arith.addf %dot_general3A_42, %add3A_46 : vector<128x64xf32>
    %max3A = arith.constant 0.000000e+00 : f32
    %max3A_48 = vector.broadcast %max3A : f32 to vector<128x64xf32>
    %max3A_49 = arith.maximumf %add3A_47, %max3A_48 : vector<128x64xf32>
    %get3A_50 = arith.constant 0 : index
    %get3A_51 = arith.constant 0 : index
    %get3A_52 = vector.load %arg10[%get3A_50, %get3A_51] : memref<64x1xf32, #tpu.memory_space<vmem>>, vector<64x1xf32>
    %dot_general3A_53 = arith.constant dense<0.000000e+00> : vector<128x1xf32>
    %dot_general3A_54 = tpu.matmul %max3A_49, %get3A_52, %dot_general3A_53 {dimension_numbers = #tpu.dot_dimension_numbers<[1], [0], [0], [1], [0, 0, 1, 1], [], []>, transpose_lhs_hint = false} : vector<128x64xf32>, vector<64x1xf32>, vector<128x1xf32> -> vector<128x1xf32>
    %get3A_55 = arith.constant 0 : index
    %get3A_56 = arith.constant 0 : index
    %get3A_57 = vector.load %arg11[%get3A_55, %get3A_56] : memref<1x1xf32, #tpu.memory_space<vmem>>, vector<1x1xf32>
    %add3A_58 = vector.broadcast %get3A_57 : vector<1x1xf32> to vector<128x1xf32>
    %add3A_59 = arith.addf %dot_general3A_54, %add3A_58 : vector<128x1xf32>
    %swap3A = arith.constant 0 : index
    %swap3A_60 = arith.constant 0 : index
    %swap3A_61 = vector.load %arg22[%swap3A, %swap3A_60] : memref<128x1xf32, #tpu.memory_space<vmem>>, vector<128x1xf32>
    tpu.vector_store %arg22[%swap3A, %swap3A_60], %add3A_59 {strides = array<i32>} : memref<128x1xf32, #tpu.memory_space<vmem>>, vector<128x1xf32>,
    %get3A_62 = arith.constant 0 : index
    %get3A_63 = arith.constant 0 : index
    %get3A_64 = vector.load %arg12[%get3A_62, %get3A_63] : memref<128x64xf32, #tpu.memory_space<vmem>>, vector<128x64xf32>
    %dot_general3A_65 = arith.constant dense<0.000000e+00> : vector<128x64xf32>
    %dot_general3A_66 = tpu.matmul %add3A_37, %get3A_64, %dot_general3A_65 {dimension_numbers = #tpu.dot_dimension_numbers<[1], [0], [0], [1], [0, 0, 1, 1], [], []>, transpose_lhs_hint = false} : vector<128x128xf32>, vector<128x64xf32>, vector<128x64xf32> -> vector<128x64xf32>
    %get3A_67 = arith.constant 0 : index
    %get3A_68 = arith.constant 0 : index
    %get3A_69 = vector.load %arg13[%get3A_67, %get3A_68] : memref<1x64xf32, #tpu.memory_space<vmem>>, vector<1x64xf32>
    %add3A_70 = vector.broadcast %get3A_69 : vector<1x64xf32> to vector<128x64xf32>
    %add3A_71 = arith.addf %dot_general3A_66, %add3A_70 : vector<128x64xf32>
    %max3A_72 = arith.constant 0.000000e+00 : f32
    %max3A_73 = vector.broadcast %max3A_72 : f32 to vector<128x64xf32>
    %max3A_74 = arith.maximumf %add3A_71, %max3A_73 : vector<128x64xf32>
    %get3A_75 = arith.constant 0 : index
    %get3A_76 = arith.constant 0 : index
    %get3A_77 = vector.load %arg14[%get3A_75, %get3A_76] : memref<64x16xf32, #tpu.memory_space<vmem>>, vector<64x16xf32>
    %dot_general3A_78 = arith.constant dense<0.000000e+00> : vector<128x16xf32>
    %dot_general3A_79 = tpu.matmul %max3A_74, %get3A_77, %dot_general3A_78 {dimension_numbers = #tpu.dot_dimension_numbers<[1], [0], [0], [1], [0, 0, 1, 1], [], []>, transpose_lhs_hint = false} : vector<128x64xf32>, vector<64x16xf32>, vector<128x16xf32> -> vector<128x16xf32>
    %get3A_80 = arith.constant 0 : index
    %get3A_81 = arith.constant 0 : index
    %get3A_82 = vector.load %arg15[%get3A_80, %get3A_81] : memref<1x16xf32, #tpu.memory_space<vmem>>, vector<1x16xf32>
    %add3A_83 = vector.broadcast %get3A_82 : vector<1x16xf32> to vector<128x16xf32>
    %add3A_84 = arith.addf %dot_general3A_79, %add3A_83 : vector<128x16xf32>
    %get3A_85 = arith.constant 0 : index
    %get3A_86 = arith.constant 0 : index
    %get3A_87 = vector.load %arg21[%get3A_85, %get3A_86] : memref<128x1xi32, #tpu.memory_space<vmem>>, vector<128x1xi32>
    %iota3A = tpu.iota {dimensions = array<i32: 1>} : vector<128x16xi32>
    %eq3A = vector.broadcast %get3A_87 : vector<128x1xi32> to vector<128x16xi32>
    %eq3A_88 = arith.cmpi eq, %eq3A, %iota3A : vector<128x16xi32>
    %get3A_89 = arith.constant 0 : index
    %get3A_90 = arith.constant 0 : index
    %get3A_91 = vector.load %arg20[%get3A_89, %get3A_90] : memref<1x16xf32, #tpu.memory_space<vmem>>, vector<1x16xf32>
    %le3A = arith.constant 1.000000e+00 : f32
    %le3A_92 = vector.broadcast %le3A : f32 to vector<1x16xf32>
    %le3A_93 = arith.cmpf ole, %get3A_91, %le3A_92 : vector<1x16xf32>
    %and3A = vector.broadcast %le3A_93 : vector<1x16xi1> to vector<128x16xi1>
    %and3A_94 = arith.andi %eq3A_88, %and3A : vector<128x16xi1>
    %convert_element_type3A = arith.extui %and3A_94 : vector<128x16xi1> to vector<128x16xi32>
    %convert_element_type3A_95 = arith.sitofp %convert_element_type3A : vector<128x16xi32> to vector<128x16xf32>
    %reduce_sum3A = arith.constant dense<0.000000e+00> : vector<128xf32>
    %reduce_sum3A_96 = vector.multi_reduction <add>, %convert_element_type3A_95, %reduce_sum3A [1] : vector<128x16xf32> to vector<128xf32>
    %broadcast_in_dim3A = vector.shape_cast %reduce_sum3A_96 : vector<128xf32> to vector<128x1xf32>
    %gt3A = arith.constant 0.000000e+00 : f32
    %gt3A_97 = vector.broadcast %gt3A : f32 to vector<128x1xf32>
    %gt3A_98 = arith.cmpf ogt, %broadcast_in_dim3A, %gt3A_97 : vector<128x1xf32>
    %not3A = arith.constant dense<true> : vector<128x16xi1>
    %not3A_99 = arith.xori %eq3A_88, %not3A : vector<128x16xi1>
    %and3A_100 = vector.broadcast %gt3A_98 : vector<128x1xi1> to vector<128x16xi1>
    %and3A_101 = arith.andi %and3A_100, %not3A_99 : vector<128x16xi1>
    %jit3A = arith.constant 0xFF800000 : f32
    %broadcast_in_dim3A_102 = vector.broadcast %jit3A : f32 to vector<128x16xf32>
    %select_n3A = arith.select %and3A_101, %broadcast_in_dim3A_102, %add3A_84 : vector<128x16xi1>, vector<128x16xf32>
    %swap3A_103 = arith.constant 0 : index
    %swap3A_104 = arith.constant 0 : index
    %swap3A_105 = vector.load %arg23[%swap3A_103, %swap3A_104] : memref<128x16xf32, #tpu.memory_space<vmem>>, vector<128x16xf32>
    tpu.vector_store %arg23[%swap3A_103, %swap3A_104], %select_n3A {strides = array<i32>} : memref<128x16xf32, #tpu.memory_space<vmem>>, vector<128x16xf32>,
    %mul3A = arith.constant 128 : i32
    %mul3A_106 = arith.muli %arg0, %mul3A : i32
    %iota3A_107 = tpu.iota {dimensions = array<i32: 0>} : vector<128x1xi32>
    %add3A_108 = vector.broadcast %mul3A_106 : i32 to vector<128x1xi32>
    %add3A_109 = arith.addi %add3A_108, %iota3A_107 : vector<128x1xi32>
    %lt3A = arith.constant 10000 : i32
    %lt3A_110 = vector.broadcast %lt3A : i32 to vector<128x1xi32>
    %lt3A_111 = arith.cmpi slt, %add3A_109, %lt3A_110 : vector<128x1xi32>
    %jit3A_112 = arith.constant 0.000000e+00 : f32
    %broadcast_in_dim3A_113 = vector.shape_cast %lt3A_111 : vector<128x1xi1> to vector<128x1xi1>
    %broadcast_in_dim3A_114 = vector.broadcast %broadcast_in_dim3A_113 : vector<128x1xi1> to vector<128x128xi1>
    %broadcast_in_dim3A_115 = vector.broadcast %jit3A_112 : f32 to vector<128x128xf32>
    %select_n3A_116 = arith.select %broadcast_in_dim3A_114, %add3A_37, %broadcast_in_dim3A_115 : vector<128x128xi1>, vector<128x128xf32>
    %reduce_sum3A_117 = arith.constant dense<0.000000e+00> : vector<128xf32>
    %reduce_sum3A_118 = vector.multi_reduction <add>, %select_n3A_116, %reduce_sum3A_117 [0] : vector<128x128xf32> to vector<128xf32>
    %broadcast_in_dim3A_119 = vector.shape_cast %reduce_sum3A_118 : vector<128xf32> to vector<1x128xf32>
    %eq3A_120 = arith.constant 0 : i32
    %eq3A_121 = arith.cmpi eq, %arg0, %eq3A_120 : i32
    %convert_element_type3A_122 = arith.extui %eq3A_121 : i1 to i32
    %cond3A = arith.constant 0 : i32
    %cond3A_123 = arith.cmpi ne, %convert_element_type3A_122, %cond3A : i32
    scf.if %cond3A_123 {
      %broadcast_in_dim3A_138 = arith.constant 0.000000e+00 : f32
      %broadcast_in_dim3A_139 = vector.broadcast %broadcast_in_dim3A_138 : f32 to vector<8x128xf32>
      %swap3A_140 = arith.constant 0 : index
      %swap3A_141 = arith.constant 0 : index
      %swap3A_142 = vector.load %arg25[%swap3A_140, %swap3A_141] : memref<8x128xf32, #tpu.memory_space<vmem>>, vector<8x128xf32>
      tpu.vector_store %arg25[%swap3A_140, %swap3A_141], %broadcast_in_dim3A_139 {strides = array<i32>} : memref<8x128xf32, #tpu.memory_space<vmem>>, vector<8x128xf32>,
    } else {
    }
    %get3A_124 = arith.constant 0 : index
    %get3A_125 = arith.constant 0 : index
    %get3A_126 = vector.load %arg25[%get3A_124, %get3A_125] : memref<8x128xf32, #tpu.memory_space<vmem>>, vector<8x128xf32>
    %broadcast_in_dim3A_127 = vector.shape_cast %broadcast_in_dim3A_119 : vector<1x128xf32> to vector<1x128xf32>
    %broadcast_in_dim3A_128 = vector.broadcast %broadcast_in_dim3A_127 : vector<1x128xf32> to vector<8x128xf32>
    %add3A_129 = arith.addf %get3A_126, %broadcast_in_dim3A_128 : vector<8x128xf32>
    %swap3A_130 = arith.constant 0 : index
    %swap3A_131 = arith.constant 0 : index
    %swap3A_132 = vector.load %arg25[%swap3A_130, %swap3A_131] : memref<8x128xf32, #tpu.memory_space<vmem>>, vector<8x128xf32>
    tpu.vector_store %arg25[%swap3A_130, %swap3A_131], %add3A_129 {strides = array<i32>} : memref<8x128xf32, #tpu.memory_space<vmem>>, vector<8x128xf32>,
    %eq3A_133 = arith.constant 79 : i32
    %eq3A_134 = arith.cmpi eq, %arg0, %eq3A_133 : i32
    %convert_element_type3A_135 = arith.extui %eq3A_134 : i1 to i32
    %cond3A_136 = arith.constant 0 : i32
    %cond3A_137 = arith.cmpi ne, %convert_element_type3A_135, %cond3A_136 : i32
    scf.if %cond3A_137 {
      %get3A_138 = arith.constant 0 : index
      %get3A_139 = arith.constant 0 : index
      %get3A_140 = vector.load %arg25[%get3A_138, %get3A_139] : memref<8x128xf32, #tpu.memory_space<vmem>>, vector<1x128xf32>
      %div3A_141 = arith.constant 1.000000e+04 : f32
      %div3A_142 = vector.broadcast %div3A_141 : f32 to vector<1x128xf32>
      %div3A_143 = arith.divf %get3A_140, %div3A_142 : vector<1x128xf32>
      %get3A_144 = arith.constant 0 : index
      %get3A_145 = arith.constant 0 : index
      %get3A_146 = vector.load %arg16[%get3A_144, %get3A_145] : memref<128x128xf32, #tpu.memory_space<vmem>>, vector<128x128xf32>
      %dot_general3A_147 = arith.constant dense<0.000000e+00> : vector<1x128xf32>
      %dot_general3A_148 = tpu.matmul %div3A_143, %get3A_146, %dot_general3A_147 {dimension_numbers = #tpu.dot_dimension_numbers<[1], [0], [0], [1], [0, 0, 1, 1], [], []>, transpose_lhs_hint = false} : vector<1x128xf32>, vector<128x128xf32>, vector<1x128xf32> -> vector<1x128xf32>
      %get3A_149 = arith.constant 0 : index
      %get3A_150 = arith.constant 0 : index
      %get3A_151 = vector.load %arg17[%get3A_149, %get3A_150] : memref<1x128xf32, #tpu.memory_space<vmem>>, vector<1x128xf32>
      %add3A_152 = arith.addf %dot_general3A_148, %get3A_151 : vector<1x128xf32>
      %max3A_153 = arith.constant 0.000000e+00 : f32
      %max3A_154 = vector.broadcast %max3A_153 : f32 to vector<1x128xf32>
      %max3A_155 = arith.maximumf %add3A_152, %max3A_154 : vector<1x128xf32>
      %get3A_156 = arith.constant 0 : index
      %get3A_157 = arith.constant 0 : index
      %get3A_158 = vector.load %arg18[%get3A_156, %get3A_157] : memref<128x1xf32, #tpu.memory_space<vmem>>, vector<128x1xf32>
      %dot_general3A_159 = arith.constant dense<0.000000e+00> : vector<1x1xf32>
      %dot_general3A_160 = tpu.matmul %max3A_155, %get3A_158, %dot_general3A_159 {dimension_numbers = #tpu.dot_dimension_numbers<[1], [0], [0], [1], [0, 0, 1, 1], [], []>, transpose_lhs_hint = false} : vector<1x128xf32>, vector<128x1xf32>, vector<1x1xf32> -> vector<1x1xf32>
      %get3A_161 = arith.constant 0 : index
      %get3A_162 = arith.constant 0 : index
      %get3A_163 = vector.load %arg19[%get3A_161, %get3A_162] : memref<1x1xf32, #tpu.memory_space<vmem>>, vector<1x1xf32>
      %add3A_164 = arith.addf %dot_general3A_160, %get3A_163 : vector<1x1xf32>
      %broadcast_in_dim3A_165 = vector.shape_cast %add3A_164 : vector<1x1xf32> to vector<1x1xf32>
      %broadcast_in_dim3A_166 = vector.broadcast %broadcast_in_dim3A_165 : vector<1x1xf32> to vector<8x128xf32>
      %swap3A_167 = arith.constant 0 : index
      %swap3A_168 = arith.constant 0 : index
      %swap3A_169 = vector.load %arg24[%swap3A_167, %swap3A_168] : memref<8x128xf32, #tpu.memory_space<vmem>>, vector<8x128xf32>
      tpu.vector_store %arg24[%swap3A_167, %swap3A_168], %broadcast_in_dim3A_166 {strides = array<i32>} : memref<8x128xf32, #tpu.memory_space<vmem>>, vector<8x128xf32>,
    } else {
    }
    return
  }
  func.func @transform_0(%arg0: i32) -> (i32, i32, i32) {
    %c0_i32 = arith.constant 0 : i32
    %c0_i32_0 = arith.constant 0 : i32
    %c0_i32_1 = arith.constant 0 : i32
    return %c0_i32, %arg0, %c0_i32_0 : i32, i32, i32
  }
  func.func @transform_1(%arg0: i32) -> (i32, i32, i32) {
    %c1_i32 = arith.constant 1 : i32
    %c0_i32 = arith.constant 0 : i32
    %c0_i32_0 = arith.constant 0 : i32
    return %c1_i32, %arg0, %c0_i32 : i32, i32, i32
  }
  func.func @transform_2(%arg0: i32) -> (i32, i32, i32) {
    %c0_i32 = arith.constant 0 : i32
    %c0_i32_0 = arith.constant 0 : i32
    %c0_i32_1 = arith.constant 0 : i32
    return %c0_i32, %arg0, %c0_i32_0 : i32, i32, i32
  }
  func.func @transform_3(%arg0: i32) -> (i32, i32, i32) {
    %c1_i32 = arith.constant 1 : i32
    %c0_i32 = arith.constant 0 : i32
    %c0_i32_0 = arith.constant 0 : i32
    return %c1_i32, %arg0, %c0_i32 : i32, i32, i32
  }
  func.func @transform_4(%arg0: i32) -> (i32, i32) {
    %c0_i32 = arith.constant 0 : i32
    %c0_i32_0 = arith.constant 0 : i32
    return %arg0, %c0_i32 : i32, i32
  }
  func.func @transform_5(%arg0: i32) -> (i32, i32) {
    %c0_i32 = arith.constant 0 : i32
    %c0_i32_0 = arith.constant 0 : i32
    %c0_i32_1 = arith.constant 0 : i32
    return %c0_i32, %c0_i32_0 : i32, i32
  }
  func.func @transform_6(%arg0: i32) -> (i32, i32) {
    %c0_i32 = arith.constant 0 : i32
    %c0_i32_0 = arith.constant 0 : i32
    %c0_i32_1 = arith.constant 0 : i32
    return %c0_i32, %c0_i32_0 : i32, i32
  }
  func.func @transform_7(%arg0: i32) -> (i32, i32) {
    %c0_i32 = arith.constant 0 : i32
    %c0_i32_0 = arith.constant 0 : i32
    %c0_i32_1 = arith.constant 0 : i32
    return %c0_i32, %c0_i32_0 : i32, i32
  }
  func.func @transform_8(%arg0: i32) -> (i32, i32) {
    %c0_i32 = arith.constant 0 : i32
    %c0_i32_0 = arith.constant 0 : i32
    %c0_i32_1 = arith.constant 0 : i32
    return %c0_i32, %c0_i32_0 : i32, i32
  }
  func.func @transform_9(%arg0: i32) -> (i32, i32) {
    %c0_i32 = arith.constant 0 : i32
    %c0_i32_0 = arith.constant 0 : i32
    %c0_i32_1 = arith.constant 0 : i32
    return %c0_i32, %c0_i32_0 : i32, i32
  }
  func.func @transform_10(%arg0: i32) -> (i32, i32) {
    %c0_i32 = arith.constant 0 : i32
    %c0_i32_0 = arith.constant 0 : i32
    %c0_i32_1 = arith.constant 0 : i32
    return %c0_i32, %c0_i32_0 : i32, i32
  }
  func.func @transform_11(%arg0: i32) -> (i32, i32) {
    %c0_i32 = arith.constant 0 : i32
    %c0_i32_0 = arith.constant 0 : i32
    %c0_i32_1 = arith.constant 0 : i32
    return %c0_i32, %c0_i32_0 : i32, i32
  }
  func.func @transform_12(%arg0: i32) -> (i32, i32) {
    %c0_i32 = arith.constant 0 : i32
    %c0_i32_0 = arith.constant 0 : i32
    %c0_i32_1 = arith.constant 0 : i32
    return %c0_i32, %c0_i32_0 : i32, i32
  }
  func.func @transform_13(%arg0: i32) -> (i32, i32) {
    %c0_i32 = arith.constant 0 : i32
    %c0_i32_0 = arith.constant 0 : i32
    %c0_i32_1 = arith.constant 0 : i32
    return %c0_i32, %c0_i32_0 : i32, i32
  }
  func.func @transform_14(%arg0: i32) -> (i32, i32) {
    %c0_i32 = arith.constant 0 : i32
    %c0_i32_0 = arith.constant 0 : i32
    %c0_i32_1 = arith.constant 0 : i32
    return %c0_i32, %c0_i32_0 : i32, i32
  }
  func.func @transform_15(%arg0: i32) -> (i32, i32) {
    %c0_i32 = arith.constant 0 : i32
    %c0_i32_0 = arith.constant 0 : i32
    %c0_i32_1 = arith.constant 0 : i32
    return %c0_i32, %c0_i32_0 : i32, i32
  }
  func.func @transform_16(%arg0: i32) -> (i32, i32) {
    %c0_i32 = arith.constant 0 : i32
    %c0_i32_0 = arith.constant 0 : i32
    %c0_i32_1 = arith.constant 0 : i32
    return %c0_i32, %c0_i32_0 : i32, i32
  }
  func.func @transform_17(%arg0: i32) -> (i32, i32) {
    %c0_i32 = arith.constant 0 : i32
    %c0_i32_0 = arith.constant 0 : i32
    %c0_i32_1 = arith.constant 0 : i32
    return %c0_i32, %c0_i32_0 : i32, i32
  }
  func.func @transform_18(%arg0: i32) -> (i32, i32) {
    %c0_i32 = arith.constant 0 : i32
    %c0_i32_0 = arith.constant 0 : i32
    %c0_i32_1 = arith.constant 0 : i32
    return %c0_i32, %c0_i32_0 : i32, i32
  }
  func.func @transform_19(%arg0: i32) -> (i32, i32) {
    %c0_i32 = arith.constant 0 : i32
    %c0_i32_0 = arith.constant 0 : i32
    %c0_i32_1 = arith.constant 0 : i32
    return %c0_i32, %c0_i32_0 : i32, i32
  }
  func.func @transform_20(%arg0: i32) -> (i32, i32) {
    %c0_i32 = arith.constant 0 : i32
    %c0_i32_0 = arith.constant 0 : i32
    return %arg0, %c0_i32 : i32, i32
  }
  func.func @transform_21(%arg0: i32) -> (i32, i32) {
    %c0_i32 = arith.constant 0 : i32
    %c0_i32_0 = arith.constant 0 : i32
    return %arg0, %c0_i32 : i32, i32
  }
  func.func @transform_22(%arg0: i32) -> (i32, i32) {
    %c0_i32 = arith.constant 0 : i32
    %c0_i32_0 = arith.constant 0 : i32
    return %arg0, %c0_i32 : i32, i32
  }
  func.func @transform_23(%arg0: i32) -> (i32, i32) {
    %c0_i32 = arith.constant 0 : i32
    %c0_i32_0 = arith.constant 0 : i32
    %c0_i32_1 = arith.constant 0 : i32
    return %c0_i32, %c0_i32_0 : i32, i32
  }
}

</mosaic_0001>

<sc_bundles>
// kernel: kernel.10.cloned.1.call-start
scs
__scs_entry_jumppad:
0x0: {  	(pc) =	sbr.rel $0x88, $3  }
0x1: {  	(tag) =	ssettag $0x0;
	lr =	simm.s32 $0x1  }
0x2: {  	[smem:$0x3F8E] =	sst lr;
	_ =	strace $0xD0000000  }
0x3: {  	_ = 	snop  }
0x4: {  	_ = 	snop  }
0x5: {  	_ = 	snop  }
0x6: {  	_ = 	snop  }
0x7: {  	_ = 	snop  }
__scs_overlays_trampoline_lowered:
0x8: {  	[smem:$0x3F9D] =	sst s0  }
0x9: {  	[smem:$0x3F9E] =	sst s1  }
0xa: {  	[smem:$0x3F9F] =	sst s2  }
0xb: {  	[smem:$0x3FA0] =	sst s3  }
0xc: {  	[smem:$0x3FA1] =	sst s4  }
0xd: {  	[smem:$0x3FA2] =	sst s5  }
0xe: {  	[smem:$0x3FA3] =	sst s6  }
0xf: {  	[smem:$0x3FA4] =	sst s7  }
0x10: {  	[smem:$0x3FA5] =	sst s8  }
0x11: {  	[smem:$0x3FA6] =	sst s9;
	s0 =	simm.s32 @!p0 $0x0  }
0x12: {  	s1 =	sld [smem:$0x3F8C];
	s0 =	simm.s32 @p0 $0x1  }
0x13: {  	[smem:$0x3FA7] =	sst s0;
	s0 =	simm.s32 @!p1 $0x0  }
0x14: {  	s2 =	sld [smem:$0x3F8B];
	s0 =	simm.s32 @p1 $0x1  }
0x15: {  	[smem:$0x3FA8] =	sst s0;
	s0 =	simm.s32 @!p2 $0x0  }
0x16: {  	s3 =	sld [smem:$0x3FDB];
	s0 =	simm.s32 @p2 $0x1  }
0x17: {  	s4 =	simm.s32 $0x1BF5;
	[smem:$0x3FAA] =	sst s0  }
0x18: {  	s0 =	sld [smem:$0x3F8D];
	_ =	swait.ge [sflag:s4], $0x0  }
0x19: {  	s7 =	sld [smem:$0x3F8E]  }
0x1a: {  	s8 =	sadd.s32 $0xFFFFE003, lr  }
0x1b: {  	s9 =	sadd.s32 $0xFFFFFEF7, lr;
	s5 =	simm.s32 $0xFFFFFFFF;
	p2 =	slt.u32 s8, $0xFFFFF086  }
0x1c: {  	p1 =	slt.u32 s9, $0xF7A;
	s5 =	simm.s32 @!p2 $0x0  }
0x1d: {  	s5 =	simm.s32 @p1 $0x1;
	p0 =	seq.s32 s7, s2  }
0x1e: {  	s7 =	smul.u32 @!p0 $0xF7A, s2;
	p2 =	seq.s32 @!p0 s5, $0x0  }
0x1f: {  	s9 =	smul.u32 $0xF7A, s1;
	s8 =	simm.s32 @!p0 $0x1BF5;
	p2 =	por !p2, p0  }
0x20: {  	[sflag:s8] =	ssyncset.s32 @!p0 $0xFFFFF086;
	s6 =	sadd.s32 @!p0 s3, s7;
	s7 =	simm.s32 @!p0 $0x108  }
0x21: {  	s3 =	sadd.s32 s3, s9;
	s6 =	sadd.s32 @!p0 $0x88, s6;
	s7 =	simm.s32 @p2 $0x1082  }
0x22: {  	[simem:s7], [sflag:s8] =	dma.local @!p0 [hbm:s6], $0xF7A  }
0x23: {  	s9 =	sor.u32 $0xD0000000, s2;
	s6 =	simm.s32 $0x108;
	_ =	swait.ge @!p0 [sflag:s8], $0x0  }
0x24: {  	s3 =	sadd.s32 $0x88, s3;
	s6 =	simm.s32 @!p1 $0x1082;
	[sflag:s4] =	ssyncset.s32 $0xFFFFF086  }
0x25: {  	[simem:s6], [sflag:s4] =	dma.local [hbm:s3], $0xF7A  }
0x26: {  	[smem:$0x3F8E] =	sst s1;
	(tag) =	ssettag s2;
	_ =	strace s9  }
0x27: {  	s1 =	sld [smem:$0x3F9E]  }
0x28: {  	s2 =	sld [smem:$0x3F9F]  }
0x29: {  	s4 =	sld [smem:$0x3FA1]  }
0x2a: {  	p0 =	seq.s32 s5, $0x0;
	s5 =	sld [smem:$0x3FA2]  }
0x2b: {  	s6 =	sld [smem:$0x3FA3]  }
0x2c: {  	s7 =	sld [smem:$0x3FA4]  }
0x2d: {  	s3 =	simm.s32 $0x108;
	s8 =	sld [smem:$0x3FA5]  }
0x2e: {  	s3 =	simm.s32 @!p0 $0x1082;
	s9 =	sld [smem:$0x3FA6]  }
0x2f: {  	lr =	sadd.s32 s0, s3;
	s0 =	sld [smem:$0x3F9D]  }
0x30: {  	s3 =	sld [smem:$0x3FA0]  }
0x31: {  	[smem:$0x3FA9] =	sst s10  }
0x32: {  	s10 =	sld [smem:$0x3FA7];
	_ =	sdelay $0x3  }
0x33: {  	p0 =	seq.s32 s10, $0x1;
	s10 =	sld [smem:$0x3FA9];
	_ =	sdelay $0x3  }
0x34: {  	[smem:$0x3FA9] =	sst s10  }
0x35: {  	s10 =	sld [smem:$0x3FA8];
	_ =	sdelay $0x3  }
0x36: {  	p1 =	seq.s32 s10, $0x1;
	s10 =	sld [smem:$0x3FA9];
	_ =	sdelay $0x3  }
0x37: {  	[smem:$0x3FA9] =	sst s10  }
0x38: {  	s10 =	sld [smem:$0x3FAA]  }
0x39: {  	_ = 	snop;
	(pc) =	sbr.ind lr, $3  }
0x3a: {  	_ = 	snop  }
0x3b: {  	_ = 	snop  }
0x3c: {  	p2 =	seq.s32 s10, $0x1;
	s10 =	sld [smem:$0x3FA9]  }
0x3d: {  	_ =	shalt  }
0x3e: {  	_ =	shalt  }
0x3f: {  	_ =	shalt  }
0x40: {  	_ =	shalt  }
0x41: {  	_ =	shalt  }
0x42: {  	_ =	shalt  }
0x43: {  	_ =	shalt  }
0x44: {  	_ =	shalt  }
0x45: {  	_ =	shalt  }
0x46: {  	_ =	shalt  }
0x47: {  	_ =	shalt  }
0x48: {  	_ =	shalt  }
0x49: {  	_ =	shalt  }
0x4a: {  	_ =	shalt  }
0x4b: {  	_ =	shalt  }
0x4c: {  	_ =	shalt  }
0x4d: {  	_ =	shalt  }
0x4e: {  	_ =	shalt  }
0x4f: {  	_ =	shalt  }
0x50: {  	_ =	shalt  }
0x51: {  	_ =	shalt  }
0x52: {  	_ =	shalt  }
0x53: {  	_ =	shalt  }
0x54: {  	_ =	shalt  }
0x55: {  	_ =	shalt  }
0x56: {  	_ =	shalt  }
0x57: {  	_ =	shalt  }
0x58: {  	_ =	shalt  }
0x59: {  	_ =	shalt  }
0x5a: {  	_ =	shalt  }
0x5b: {  	_ =	shalt  }
0x5c: {  	_ =	shalt  }
0x5d: {  	_ =	shalt  }
0x5e: {  	_ =	shalt  }
0x5f: {  	_ =	shalt  }
0x60: {  	_ =	shalt  }
0x61: {  	_ =	shalt  }
0x62: {  	_ =	shalt  }
0x63: {  	_ =	shalt  }
0x64: {  	_ =	shalt  }
0x65: {  	_ =	shalt  }
0x66: {  	_ =	shalt  }
0x67: {  	_ =	shalt  }
0x68: {  	_ =	shalt  }
0x69: {  	_ =	shalt  }
0x6a: {  	_ =	shalt  }
0x6b: {  	_ =	shalt  }
0x6c: {  	_ =	shalt  }
0x6d: {  	_ =	shalt  }
0x6e: {  	_ =	shalt  }
0x6f: {  	_ =	shalt  }
0x70: {  	_ =	shalt  }
0x71: {  	_ =	shalt  }
0x72: {  	_ =	shalt  }
0x73: {  	_ =	shalt  }
0x74: {  	_ =	shalt  }
0x75: {  	_ =	shalt  }
0x76: {  	_ =	shalt  }
0x77: {  	_ =	shalt  }
0x78: {  	_ =	shalt  }
0x79: {  	_ =	shalt  }
0x7a: {  	_ =	shalt  }
0x7b: {  	_ =	shalt  }
0x7c: {  	_ =	shalt  }
0x7d: {  	_ =	shalt  }
0x7e: {  	_ =	shalt  }
0x7f: {  	_ =	shalt  }
0x80: {  	_ =	shalt  }
0x81: {  	_ =	shalt  }
0x82: {  	_ =	shalt  }
0x83: {  	_ =	shalt  }
0x84: {  	_ =	shalt  }
0x85: {  	_ =	shalt  }
0x86: {  	_ =	shalt  }
0x87: {  	_ =	shalt  }
.Lfunc_end0:
.L_simem_size_0:
called_computation.1_lowered:
.L_overlay_start_0:
0x88: {  	s2 =	sld [smem:$0x3FD9]  }
0x89: {  	s3 =	sld [smem:$0x3FFE];
	_ =	sdelay $0x1  }
0x8a: {  	s1 =	srdreg.scid  }
0x8b: {  	s0 =	sand.u32 $0x1, s1  }
0x8c: {  	s15 =	sshll.u32 s0, $0xA;
	s2 =	sadd.s32 s3, s2  }
0x8d: {  	s2 =	sadd.s32 s2, s15  }
0x8e: {  	[smem:$0x3FB5] =	sst s2  }
0x8f: {  	_ = 	snop  }
0x90: {  	s2 =	sld [smem:$0x3FD0];
	_ =	sdelay $0x2  }
0x91: {  	s16 =	simm.s32 $0xB;
	s4 =	simm.s32 $0x10  }
0x92: {  	[smem:s4], [sflag:s16] =	dma.local [hbm:s2], $0x1  }
0x93: {  	_ =	swait.eq [sflag:s16], $0x1  }
0x94: {  	[sflag:s16] =	ssyncset.done $0x0  }
0x95: {  	[sflag:s16] =	ssyncadd.s32 $0xFFFFFFFF  }
0x96: {  	s17 =	sld [smem:$0x11];
	(tm) =	ssettm $0x1  }
0x97: {  	s18 =	sld [smem:$0x3FFB];
	_ =	sdelay $0x3  }
0x98: {  	_ =	strace s18  }
0x99: {  	s2 =	sld [smem:$0x3FFC];
	_ =	sdelay $0x3  }
0x9a: {  	_ =	strace s2  }
0x9b: {  	s2 =	sld [smem:$0x3FFD];
	_ =	sdelay $0x3  }
0x9c: {  	_ =	strace s2  }
0x9d: {  	_ =	strace $0x8FFFFFFF  }
0x9e: {  	s19 =	sld [smem:$0x3FDB];
	_ =	sdelay $0x1  }
0x9f: {  	s20 =	simm.s32 $_scs_section_size  }
0xa0: {  	s5 =	simm.s32 $_size__tile_overlayer_lowered;
	s6 =	simm.s32 $_tile_overlayer_lowered  }
0xa1: {  	s7 =	simm.s32 $0x1BFF;
	s21 =	sshll.u32 s6, $0x1;
	s4 =	sadd.s32 s20, s19  }
0xa2: {  	s22 =	simm.s32 $0x0;
	s5 =	sshll.u32 s5, $0x1;
	s6 =	sadd.s32 s21, s4  }
0xa3: {  	[timem:s22], [sflag:s7] =	dma.local [hbm:s6], s5  }
0xa4: {  	_ =	swait.ge [sflag:s7], s5  }
0xa5: {  	s5 =	ssub.s32 $0x0, s5;
	[sflag:s7] =	ssyncset.done $0x0  }
0xa6: {  	[sflag:s7] =	ssyncadd.s32 s5;
	_ =	sdelay $0x1  }
0xa7: {  	s23 =	simm.s32 $0x1B8B  }
0xa8: {  	_ =	swait.ge [sflag:s23], $0x1  }
0xa9: {  	[sflag:s23] =	ssyncset.done $0x0  }
0xaa: {  	[sflag:s23] =	ssyncadd.s32 $0xFFFFFFFF  }
0xab: {  	s5 =	sld [smem:$0x0]  }
0xac: {  	s6 =	sand.u32 $0xFFFFFFFE, s1  }
0xad: {  	p0 =	sne.s32 s1, s6  }
0xae: {  	s6 =	sshll.u32 @p0 s6, $0xE  }
0xaf: {  	s6 =	sadd.s32 @p0 $0x11B8D, s6;
	s7 =	sshll.u32 @p0 s5, $0x11  }
0xb0: {  	s6 =	sor.u32 @p0 s7, s6  }
0xb1: {  	[sflag:s6] =	ssyncadd.remote.s32 @p0 $0x1;
	_ =	sdelay $0x1  }
0xb2: {  	s6 =	simm.s32 @p0 $0x1B8D  }
0xb3: {  	_ =	swait.eq @p0 [sflag:s6], $0x1  }
0xb4: {  	[sflag:s6] =	ssyncadd.s32 @p0 $0xFFFFFFFF  }
0xb5: {  	s7 =	sshll.u32 @!p0 s1, $0xE  }
0xb6: {  	s7 =	sor.u32 @!p0 $0x4000, s7;
	s6 =	simm.s32 @!p0 $0x1B8D  }
0xb7: {  	s5 =	sshll.u32 @!p0 s5, $0x11;
	s7 =	sadd.s32 @!p0 $0x11B8D, s7;
	_ =	swait.eq @!p0 [sflag:s6], $0x1  }
0xb8: {  	s5 =	sor.u32 @!p0 s5, s7;
	[sflag:s6] =	ssyncadd.s32 @!p0 $0xFFFFFFFF  }
0xb9: {  	s25 =	simm.s32 $0x1B8E;
	s24 =	sld [smem:$0x3FFE];
	[sflag:s5] =	ssyncadd.remote.s32 @!p0 $0x1  }
0xba: {  	s26 =	simm.s32 $execute0_lowered;
	[smem:$0x3FD2] =	sst s25  }
0xbb: {  	s6 =	sshll.u32 s26, $0x1;
	_ =	strace $0x80000049;
	[dreg:$0x1] =	wrdreg $0xFFFFFFFF  }
0xbc: {  	s28 =	simm.s32 $_size_execute0_lowered;
	s4 =	sadd.s32 s4, s6;
	[dreg:$0x0] =	wrdreg $0x0  }
0xbd: {  	s6 =	sshll.u32 s28, $0x1;
	[dreg:$0x2] =	wrdreg s4  }
0xbe: {  	[dreg:$0x3] =	wrdreg s6  }
0xbf: {  	[dreg:$0x4] =	wrdreg $0xC0  }
0xc0: {  	_ =	task [dreg:s22], $0x5FFFF  }
0xc1: {  	[dreg:$0x1] =	wrdreg $0xFFFFFFFF  }
0xc2: {  	[dreg:$0x0] =	wrdreg $0x60  }
0xc3: {  	[dreg:$0x2] =	wrdreg s24  }
0xc4: {  	[dreg:$0x3] =	wrdreg s17  }
0xc5: {  	[dreg:$0x4] =	wrdreg $0x68000  }
0xc6: {  	[dreg:$0x5] =	wrdreg $0xA  }
0xc7: {  	_ =	task.clear_ibuf [dreg:s22], $0x6FFFF;
	_ =	strace $0x90000049  }
0xc8: {  	s29 =	simm.s32 $0xA;
	_ =	strace $0x8000004B  }
0xc9: {  	_ =	swait.ge [sflag:s29], $0x1  }
0xca: {  	[sflag:s29] =	ssyncadd.s32 $0xFFFFFFFF  }
0xcb: {  	_ =	strace $0x9000004B  }
0xcc: {  	_ =	sfence  }
0xcd: {  	s30 =	sld [smem:$0x0];
	_ =	sdelay $0x2  }
0xce: {  	s31 =	sshll.u32 s1, $0xD;
	s1 =	sshrl.u32 s1, $0x2  }
0xcf: {  	s4 =	sand.u32 $0x4000, s31;
	s1 =	sadd.s32 s1, s30  }
0xd0: {  	s0 =	sor.u32 s4, s0;
	s1 =	sshll.u32 s1, $0x11  }
0xd1: {  	s0 =	sor.u32 s1, s0  }
0xd2: {  	s0 =	sadd.s32 $0x8F2B, s0  }
0xd3: {  	[sflag:s0] =	ssyncadd.remote.s32 $0x1  }
0xd4: {  	_ =	sfence.sel $0xFFFF  }
0xd5: {  	[dreg:$0x0] =	wrdreg $0xFFFFFFFF;
	(pc) =	sbr.abs _section_cstart, $3  }
0xd6: {  	[dreg:$0x1] =	wrdreg $0xFFFFFFFF  }
0xd7: {  	_ =	task.clear_ibuf [dreg:s22], $0x2FFFF;
	_ =	strace $0x9FFFFFFF  }
0xd8: {  	(tm) =	ssettm $0x7FFFFFFF  }
0xd9: {  	_ =	shalt  }
tec
execute0_lowered:
.L_overlay_start_1:
0x0: {  	(tag) =	ssettag $0x1  }
0x1: {  	s7 =	rddreg [dreg:$0x0]  }
0x2: {  	s0 =	srdreg.scid;
	s2 =	rddreg [dreg:$0x1]  }
0x3: {  	s3 =	rddreg [dreg:$0x2];
	s4 =	simm.s32 $0x0;
	s6 =	sand.u32 $0x1, s0  }
0x4: {  	s13 =	simm.s32 $0x80;
	s0 =	stileid.u32;
	s8 =	smul.u32 $0x140000, s6  }
0x5: {  	s14 =	simm.s32 $0x0;
	[smem:$0x7FF] =	sst s4;
	s9 =	smul.u32 $0x14000, s0  }
0x6: {  	s1 =	sshll.u32 s6, $0x4;
	s29 =	smul.u32 $0x50000, s0;
	s6 =	ssub.s32 $0x2, s6  }
0x7: {  	s31 =	sshll.u32 s0, $0x6;
	s1 =	sor.u32 s0, s1;
	s30 =	sshrl.u32 s6, $0x1  }
0x8: {  	s5 =	smul.u32 $0x500, s1;
	s1 =	rddreg [dreg:$0x3];
	_ =	strace $0x8000004A  }
0x9: {  	s8 =	sadd.s32 s9, s8;
	s9 =	sshrl.u32 s29, $0x2;
	s11 =	ssub.s32 s6, s30  }
0xa: {  	s6 =	sor.u32 $0x1C01, s31;
	s8 =	sshrl.u32 s8, $0x3;
	s12 =	sadd.s32 s9, s3  }
0xb: {  	s9 =	smax.u32 s11, $0x1;
	s11 =	simm.s32 $0x1;
	s10 =	sadd.s32 s5, s7  }
0xc: {  	s5 =	sadd.s32 $0x8EC00, s7;
	s8 =	sadd.s32 s8, s7;
	s7 =	sadd.s32 $0x2C00, s10  }
0xd: {  	s8 =	sadd.s32 $0x8F400, s8;
	s10 =	sshrl.u32 s12, $0x3;
	s12 =	simm.s32 $0x2800  }
.LBB2_1:
0xe: {  	[spmem:s10], [sflag:s6] =	dma.local [hbm:s2], $0x2800  }
0xf: {  	_ =	swait.ge [sflag:s11], $0x2800  }
0x10: {  	[sflag:s11] =	ssyncset.done $0x0  }
0x11: {  	[sflag:s11] =	ssyncadd.s32 $0xFFFFD800  }
0x12: {  	[tilespmem:s12], [sflag:$0x1] =	stream.linear.gather [hbm4b:s5+s4], $0x4000, $0x38;
	[tilespmem:$0x1A800] =	vst v63  }
0x13: {  	_ =	swait.ge [sflag:s11], $0x4000  }
0x14: {  	[sflag:s11] =	ssyncset.done $0x0  }
0x15: {  	[sflag:s11] =	ssyncadd.s32 $0xFFFFC000  }
0x16: {  	[tilespmem:s4], [sflag:$0x1] =	stream.linear.gather [hbm4b:s7+s4], $0x2800, $0x38;
	[tilespmem:$0x1A800] =	vst v63  }
0x17: {  	_ =	swait.ge [sflag:s11], $0x2800  }
0x18: {  	[sflag:s11] =	ssyncset.done $0x0  }
0x19: {  	[sflag:s11] =	ssyncadd.s32 $0xFFFFD800  }
0x1a: {  	s15 =	simm.s32 $0x0;
	[bflag:$0x0] =	sbarrier.arrive $0xFFFF  }
0x1b: {  	[spmem:s3] =	stream.indirect.scatter.add.f32 [tilespmem:s12], [sflag:$0x1], $0x80, s15, s13, $0xb8;
	[tilespmem:$0x1A800] =	vst v63  }
0x1c: {  	_ =	swait.ge [sflag:s11], $0x4000  }
0x1d: {  	s15 =	simm.s32 $0x200;
	[sflag:s11] =	ssyncset.done $0x0  }
.LBB2_2:
0x1e: {  	s16 =	sshra.s32 s15, $0x2;
	[sflag:s11] =	ssyncadd.s32 $0xFFFFC000;
	p0 =	sne.s32 s15, $0x9E00  }
0x1f: {  	[spmem:s3] =	stream.indirect.scatter.add.f32 [tilespmem:s12], [sflag:$0x1], $0x80, s16, s13, $0xb8;
	[tilespmem:$0x1A800] =	vst v63  }
.Ltmp0:
0x20: {  	_ = 	snop;
	(pc) =	sbr.rel @p0 .LBB2_2-.Ltmp0, $4  }
0x21: {  	_ = 	snop  }
0x22: {  	s15 =	sadd.s32 $0x200, s15  }
0x23: {  	_ =	swait.ge [sflag:s11], $0x4000  }
0x24: {  	[sflag:s11] =	ssyncset.done $0x0  }
0x25: {  	s14 =	sadd.s32 $0x1, s14  }
0x26: {  	[sflag:s11] =	ssyncadd.s32 $0xFFFFC000;
	p0 =	sne.s32 s14, s9  }
.Ltmp1:
0x27: {  	[bflag:$0x0] =	sbarrier.arrive $0xFFFF;
	(pc) =	sbr.rel @p0 .LBB2_1-.Ltmp1, $4  }
0x28: {  	[hbm:s8], [sflag:s6] =	dma.local [spmem:s10], $0x2800  }
0x29: {  	_ =	swait.ge [sflag:s11], $0x2800  }
0x2a: {  	[sflag:s11] =	ssyncset.done $0x0  }
0x2b: {  	[sflag:s11] =	ssyncadd.s32 $0xFFFFD800  }
0x2c: {  	_ =	sfence.sel $0x180000  }
0x2d: {  	[bflag:$0x0] =	sbarrier.arrive $0xFFFF  }
0x2e: {  	p0 =	sne.s32 s0, $0x0;
	_ =	strace $0x9000004A  }
0x2f: {  	s0 =	sadd.s32 @!p0 $0x100000, s1;
	[bflag:$0x2] =	sbarrier.arrive $0xFFFF  }
0x30: {  	[sflag:s0] =	ssyncadd.tile.s32 @!p0 $0x1;
	_ =	shalt  }
.Lfunc_end2:
_tile_overlayer_lowered:
.L_overlay_start_2:
0x31: {  	(tag) =	ssettag $0x2  }
0x32: {  	s0 =	rddreg [dreg:$0x0];
	s2 =	stileid.u32  }
0x33: {  	s1 =	rddreg [dreg:$0x1];
	p0 =	sne.s32 s2, $0x0  }
0x34: {  	s3 =	rddreg [dreg:$0x2];
	[bflag:$0x3] =	sbarrier.arrive $0xFFFF;
	s2 =	simm.s32 @!p0 $0x1C01  }
0x35: {  	[timem:s3], [sflag:s2] =	dma.local @!p0 [hbm:s0], s1  }
0x36: {  	s0 =	simm.s32 @!p0 $0x1  }
0x37: {  	_ =	swait.ge @!p0 [sflag:s0], s1  }
0x38: {  	s1 =	ssub.s32 @!p0 $0x0, s1;
	[sflag:s0] =	ssyncset.done @!p0 $0x0  }
0x39: {  	[sflag:s0] =	ssyncadd.s32 @!p0 s1  }
0x3a: {  	[bflag:$0x3] =	sbarrier.arrive $0xFFFF  }
0x3b: {  	_ =	shalt  }

// kernel: kernel.13.cloned.1.call-start
scs
__scs_entry_jumppad:
0x0: {  	(pc) =	sbr.rel $0x88, $3  }
0x1: {  	(tag) =	ssettag $0x0;
	lr =	simm.s32 $0x1  }
0x2: {  	[smem:$0x3F8E] =	sst lr;
	_ =	strace $0xD0000000  }
0x3: {  	_ = 	snop  }
0x4: {  	_ = 	snop  }
0x5: {  	_ = 	snop  }
0x6: {  	_ = 	snop  }
0x7: {  	_ = 	snop  }
__scs_overlays_trampoline_lowered:
0x8: {  	[smem:$0x3F9D] =	sst s0  }
0x9: {  	[smem:$0x3F9E] =	sst s1  }
0xa: {  	[smem:$0x3F9F] =	sst s2  }
0xb: {  	[smem:$0x3FA0] =	sst s3  }
0xc: {  	[smem:$0x3FA1] =	sst s4  }
0xd: {  	[smem:$0x3FA2] =	sst s5  }
0xe: {  	[smem:$0x3FA3] =	sst s6  }
0xf: {  	[smem:$0x3FA4] =	sst s7  }
0x10: {  	[smem:$0x3FA5] =	sst s8  }
0x11: {  	[smem:$0x3FA6] =	sst s9;
	s0 =	simm.s32 @!p0 $0x0  }
0x12: {  	s1 =	sld [smem:$0x3F8C];
	s0 =	simm.s32 @p0 $0x1  }
0x13: {  	[smem:$0x3FA7] =	sst s0;
	s0 =	simm.s32 @!p1 $0x0  }
0x14: {  	s2 =	sld [smem:$0x3F8B];
	s0 =	simm.s32 @p1 $0x1  }
0x15: {  	[smem:$0x3FA8] =	sst s0;
	s0 =	simm.s32 @!p2 $0x0  }
0x16: {  	s3 =	sld [smem:$0x3FDB];
	s0 =	simm.s32 @p2 $0x1  }
0x17: {  	s4 =	simm.s32 $0x1BF5;
	[smem:$0x3FAA] =	sst s0  }
0x18: {  	s0 =	sld [smem:$0x3F8D];
	_ =	swait.ge [sflag:s4], $0x0  }
0x19: {  	s7 =	sld [smem:$0x3F8E]  }
0x1a: {  	s8 =	sadd.s32 $0xFFFFE003, lr  }
0x1b: {  	s9 =	sadd.s32 $0xFFFFFEF7, lr;
	s5 =	simm.s32 $0xFFFFFFFF;
	p2 =	slt.u32 s8, $0xFFFFF086  }
0x1c: {  	p1 =	slt.u32 s9, $0xF7A;
	s5 =	simm.s32 @!p2 $0x0  }
0x1d: {  	s5 =	simm.s32 @p1 $0x1;
	p0 =	seq.s32 s7, s2  }
0x1e: {  	s7 =	smul.u32 @!p0 $0xF7A, s2;
	p2 =	seq.s32 @!p0 s5, $0x0  }
0x1f: {  	s9 =	smul.u32 $0xF7A, s1;
	s8 =	simm.s32 @!p0 $0x1BF5;
	p2 =	por !p2, p0  }
0x20: {  	[sflag:s8] =	ssyncset.s32 @!p0 $0xFFFFF086;
	s6 =	sadd.s32 @!p0 s3, s7;
	s7 =	simm.s32 @!p0 $0x108  }
0x21: {  	s3 =	sadd.s32 s3, s9;
	s6 =	sadd.s32 @!p0 $0x88, s6;
	s7 =	simm.s32 @p2 $0x1082  }
0x22: {  	[simem:s7], [sflag:s8] =	dma.local @!p0 [hbm:s6], $0xF7A  }
0x23: {  	s9 =	sor.u32 $0xD0000000, s2;
	s6 =	simm.s32 $0x108;
	_ =	swait.ge @!p0 [sflag:s8], $0x0  }
0x24: {  	s3 =	sadd.s32 $0x88, s3;
	s6 =	simm.s32 @!p1 $0x1082;
	[sflag:s4] =	ssyncset.s32 $0xFFFFF086  }
0x25: {  	[simem:s6], [sflag:s4] =	dma.local [hbm:s3], $0xF7A  }
0x26: {  	[smem:$0x3F8E] =	sst s1;
	(tag) =	ssettag s2;
	_ =	strace s9  }
0x27: {  	s1 =	sld [smem:$0x3F9E]  }
0x28: {  	s2 =	sld [smem:$0x3F9F]  }
0x29: {  	s4 =	sld [smem:$0x3FA1]  }
0x2a: {  	p0 =	seq.s32 s5, $0x0;
	s5 =	sld [smem:$0x3FA2]  }
0x2b: {  	s6 =	sld [smem:$0x3FA3]  }
0x2c: {  	s7 =	sld [smem:$0x3FA4]  }
0x2d: {  	s3 =	simm.s32 $0x108;
	s8 =	sld [smem:$0x3FA5]  }
0x2e: {  	s3 =	simm.s32 @!p0 $0x1082;
	s9 =	sld [smem:$0x3FA6]  }
0x2f: {  	lr =	sadd.s32 s0, s3;
	s0 =	sld [smem:$0x3F9D]  }
0x30: {  	s3 =	sld [smem:$0x3FA0]  }
0x31: {  	[smem:$0x3FA9] =	sst s10  }
0x32: {  	s10 =	sld [smem:$0x3FA7];
	_ =	sdelay $0x3  }
0x33: {  	p0 =	seq.s32 s10, $0x1;
	s10 =	sld [smem:$0x3FA9];
	_ =	sdelay $0x3  }
0x34: {  	[smem:$0x3FA9] =	sst s10  }
0x35: {  	s10 =	sld [smem:$0x3FA8];
	_ =	sdelay $0x3  }
0x36: {  	p1 =	seq.s32 s10, $0x1;
	s10 =	sld [smem:$0x3FA9];
	_ =	sdelay $0x3  }
0x37: {  	[smem:$0x3FA9] =	sst s10  }
0x38: {  	s10 =	sld [smem:$0x3FAA]  }
0x39: {  	_ = 	snop;
	(pc) =	sbr.ind lr, $3  }
0x3a: {  	_ = 	snop  }
0x3b: {  	_ = 	snop  }
0x3c: {  	p2 =	seq.s32 s10, $0x1;
	s10 =	sld [smem:$0x3FA9]  }
0x3d: {  	_ =	shalt  }
0x3e: {  	_ =	shalt  }
0x3f: {  	_ =	shalt  }
0x40: {  	_ =	shalt  }
0x41: {  	_ =	shalt  }
0x42: {  	_ =	shalt  }
0x43: {  	_ =	shalt  }
0x44: {  	_ =	shalt  }
0x45: {  	_ =	shalt  }
0x46: {  	_ =	shalt  }
0x47: {  	_ =	shalt  }
0x48: {  	_ =	shalt  }
0x49: {  	_ =	shalt  }
0x4a: {  	_ =	shalt  }
0x4b: {  	_ =	shalt  }
0x4c: {  	_ =	shalt  }
0x4d: {  	_ =	shalt  }
0x4e: {  	_ =	shalt  }
0x4f: {  	_ =	shalt  }
0x50: {  	_ =	shalt  }
0x51: {  	_ =	shalt  }
0x52: {  	_ =	shalt  }
0x53: {  	_ =	shalt  }
0x54: {  	_ =	shalt  }
0x55: {  	_ =	shalt  }
0x56: {  	_ =	shalt  }
0x57: {  	_ =	shalt  }
0x58: {  	_ =	shalt  }
0x59: {  	_ =	shalt  }
0x5a: {  	_ =	shalt  }
0x5b: {  	_ =	shalt  }
0x5c: {  	_ =	shalt  }
0x5d: {  	_ =	shalt  }
0x5e: {  	_ =	shalt  }
0x5f: {  	_ =	shalt  }
0x60: {  	_ =	shalt  }
0x61: {  	_ =	shalt  }
0x62: {  	_ =	shalt  }
0x63: {  	_ =	shalt  }
0x64: {  	_ =	shalt  }
0x65: {  	_ =	shalt  }
0x66: {  	_ =	shalt  }
0x67: {  	_ =	shalt  }
0x68: {  	_ =	shalt  }
0x69: {  	_ =	shalt  }
0x6a: {  	_ =	shalt  }
0x6b: {  	_ =	shalt  }
0x6c: {  	_ =	shalt  }
0x6d: {  	_ =	shalt  }
0x6e: {  	_ =	shalt  }
0x6f: {  	_ =	shalt  }
0x70: {  	_ =	shalt  }
0x71: {  	_ =	shalt  }
0x72: {  	_ =	shalt  }
0x73: {  	_ =	shalt  }
0x74: {  	_ =	shalt  }
0x75: {  	_ =	shalt  }
0x76: {  	_ =	shalt  }
0x77: {  	_ =	shalt  }
0x78: {  	_ =	shalt  }
0x79: {  	_ =	shalt  }
0x7a: {  	_ =	shalt  }
0x7b: {  	_ =	shalt  }
0x7c: {  	_ =	shalt  }
0x7d: {  	_ =	shalt  }
0x7e: {  	_ =	shalt  }
0x7f: {  	_ =	shalt  }
0x80: {  	_ =	shalt  }
0x81: {  	_ =	shalt  }
0x82: {  	_ =	shalt  }
0x83: {  	_ =	shalt  }
0x84: {  	_ =	shalt  }
0x85: {  	_ =	shalt  }
0x86: {  	_ =	shalt  }
0x87: {  	_ =	shalt  }
.Lfunc_end0:
.L_simem_size_0:
called_computation.2_lowered:
.L_overlay_start_0:
0x88: {  	s2 =	sld [smem:$0x3FD9]  }
0x89: {  	s3 =	sld [smem:$0x3FFE];
	_ =	sdelay $0x1  }
0x8a: {  	s1 =	srdreg.scid  }
0x8b: {  	s0 =	sand.u32 $0x1, s1  }
0x8c: {  	s14 =	sshll.u32 s0, $0xA;
	s2 =	sadd.s32 s3, s2  }
0x8d: {  	s2 =	sadd.s32 s2, s14  }
0x8e: {  	[smem:$0x3FB5] =	sst s2  }
0x8f: {  	_ = 	snop  }
0x90: {  	s2 =	sld [smem:$0x3FD0];
	_ =	sdelay $0x2  }
0x91: {  	s15 =	simm.s32 $0xB;
	s4 =	simm.s32 $0x10  }
0x92: {  	[smem:s4], [sflag:s15] =	dma.local [hbm:s2], $0x1  }
0x93: {  	_ =	swait.eq [sflag:s15], $0x1  }
0x94: {  	[sflag:s15] =	ssyncset.done $0x0  }
0x95: {  	[sflag:s15] =	ssyncadd.s32 $0xFFFFFFFF  }
0x96: {  	s16 =	sld [smem:$0x11];
	(tm) =	ssettm $0x1  }
0x97: {  	s17 =	sld [smem:$0x3FFB];
	_ =	sdelay $0x3  }
0x98: {  	_ =	strace s17  }
0x99: {  	s3 =	sld [smem:$0x3FFC];
	_ =	sdelay $0x3  }
0x9a: {  	_ =	strace s3  }
0x9b: {  	s3 =	sld [smem:$0x3FFD];
	_ =	sdelay $0x3  }
0x9c: {  	_ =	strace s3  }
0x9d: {  	_ =	strace $0x8FFFFFFF  }
0x9e: {  	s18 =	sld [smem:$0x3FDB];
	_ =	sdelay $0x1  }
0x9f: {  	s19 =	simm.s32 $_scs_section_size  }
0xa0: {  	s5 =	simm.s32 $_size__tile_overlayer_lowered;
	s6 =	simm.s32 $_tile_overlayer_lowered  }
0xa1: {  	s22 =	simm.s32 $0x1BFF;
	s21 =	sshll.u32 s6, $0x1;
	s3 =	sadd.s32 s19, s18  }
0xa2: {  	s7 =	simm.s32 $0x0;
	s20 =	sshll.u32 s5, $0x1;
	s5 =	sadd.s32 s21, s3  }
0xa3: {  	[timem:s7], [sflag:s22] =	dma.local [hbm:s5], s20  }
0xa4: {  	_ =	swait.ge [sflag:s22], s20  }
0xa5: {  	s4 =	ssub.s32 $0x0, s20;
	[sflag:s22] =	ssyncset.done $0x0  }
0xa6: {  	[sflag:s22] =	ssyncadd.s32 s4;
	_ =	sdelay $0x1  }
0xa7: {  	s23 =	simm.s32 $0x1B8B  }
0xa8: {  	_ =	swait.ge [sflag:s23], $0x1  }
0xa9: {  	[sflag:s23] =	ssyncset.done $0x0  }
0xaa: {  	s25 =	simm.s32 $0x1B8E;
	s24 =	sld [smem:$0x3FFE];
	[sflag:s23] =	ssyncadd.s32 $0xFFFFFFFF  }
0xab: {  	s26 =	simm.s32 $execute0_lowered;
	[smem:$0x3FD2] =	sst s25  }
0xac: {  	s5 =	sshll.u32 s26, $0x1;
	_ =	strace $0x8000004C;
	[dreg:$0x1] =	wrdreg $0xFFFFFFFF  }
0xad: {  	s28 =	simm.s32 $_size_execute0_lowered;
	s3 =	sadd.s32 s3, s5;
	[dreg:$0x0] =	wrdreg $0x0  }
0xae: {  	s5 =	sshll.u32 s28, $0x1;
	[dreg:$0x2] =	wrdreg s3  }
0xaf: {  	[dreg:$0x3] =	wrdreg s5  }
0xb0: {  	[dreg:$0x4] =	wrdreg $0xC0  }
0xb1: {  	_ =	task [dreg:s7], $0x5FFFF  }
0xb2: {  	[dreg:$0x1] =	wrdreg $0xFFFFFFFF  }
0xb3: {  	[dreg:$0x0] =	wrdreg $0x60  }
0xb4: {  	[dreg:$0x2] =	wrdreg s24  }
0xb5: {  	[dreg:$0x3] =	wrdreg s16  }
0xb6: {  	[dreg:$0x4] =	wrdreg $0x90000  }
0xb7: {  	[dreg:$0x5] =	wrdreg $0x9  }
0xb8: {  	_ =	task.clear_ibuf [dreg:s7], $0x6FFFF;
	_ =	strace $0x9000004C  }
0xb9: {  	s29 =	simm.s32 $0x9;
	_ =	strace $0x8000004E  }
0xba: {  	_ =	swait.ge [sflag:s29], $0x1  }
0xbb: {  	[sflag:s29] =	ssyncadd.s32 $0xFFFFFFFF  }
0xbc: {  	_ =	strace $0x9000004E  }
0xbd: {  	_ =	sfence  }
0xbe: {  	s30 =	sld [smem:$0x0];
	_ =	sdelay $0x2  }
0xbf: {  	s31 =	sshll.u32 s1, $0xD;
	s1 =	sshrl.u32 s1, $0x2  }
0xc0: {  	s3 =	sand.u32 $0x4000, s31;
	s1 =	sadd.s32 s1, s30  }
0xc1: {  	s0 =	sor.u32 s3, s0;
	s1 =	sshll.u32 s1, $0x11  }
0xc2: {  	s0 =	sor.u32 s1, s0  }
0xc3: {  	s0 =	sadd.s32 $0x8F2B, s0  }
0xc4: {  	[sflag:s0] =	ssyncadd.remote.s32 $0x1  }
0xc5: {  	_ =	sfence.sel $0xFFFF  }
0xc6: {  	[dreg:$0x0] =	wrdreg $0xFFFFFFFF;
	(pc) =	sbr.abs _section_cstart, $3  }
0xc7: {  	[dreg:$0x1] =	wrdreg $0xFFFFFFFF  }
0xc8: {  	_ =	task.clear_ibuf [dreg:s7], $0x2FFFF;
	_ =	strace $0x9FFFFFFF  }
0xc9: {  	(tm) =	ssettm $0x7FFFFFFF  }
tec
execute0_lowered:
.L_overlay_start_1:
0x0: {  	(tag) =	ssettag $0x1  }
0x1: {  	s6 =	rddreg [dreg:$0x0]  }
0x2: {  	s1 =	rddreg [dreg:$0x1]  }
0x3: {  	s2 =	rddreg [dreg:$0x2]  }
0x4: {  	s3 =	srdreg.scid;
	s0 =	rddreg [dreg:$0x3];
	s4 =	simm.s32 $0x0  }
0x5: {  	s14 =	simm.s32 $0x80;
	s15 =	simm.s32 $0x5000;
	s7 =	sand.u32 $0x1, s3  }
0x6: {  	s16 =	simm.s32 $0x1;
	s3 =	stileid.u32;
	s8 =	smul.u32 $0x140000, s7  }
0x7: {  	s17 =	simm.s32 $0x0;
	[smem:$0x7FF] =	sst s4;
	s9 =	smul.u32 $0x14000, s3  }
0x8: {  	s5 =	sshll.u32 s7, $0x4;
	_ =	strace $0x8000004D;
	s28 =	smul.u32 $0x50000, s3  }
0x9: {  	s7 =	ssub.s32 $0x2, s7;
	s31 =	sshll.u32 s3, $0x6;
	s5 =	sor.u32 s3, s5  }
0xa: {  	s29 =	sshrl.u32 s7, $0x1;
	s10 =	smul.u32 $0x500, s5;
	s5 =	sadd.s32 $0x16C00, s6  }
0xb: {  	s8 =	sadd.s32 s9, s8;
	s30 =	sshrl.u32 s28, $0x2;
	s12 =	ssub.s32 s7, s29  }
0xc: {  	s8 =	sshrl.u32 s8, $0x3;
	s13 =	sadd.s32 s30, s2;
	s10 =	sadd.s32 s10, s6  }
0xd: {  	s11 =	sadd.s32 s8, s6;
	s6 =	sor.u32 $0x1C02, s31;
	s7 =	sadd.s32 $0xCC00, s10  }
0xe: {  	s8 =	sadd.s32 $0x2C00, s10;
	s9 =	sadd.s32 $0x3EC00, s11;
	s10 =	smax.u32 s12, $0x1  }
0xf: {  	s11 =	sshrl.u32 s13, $0x3;
	s12 =	simm.s32 $0x2;
	s13 =	simm.s32 $0x2800  }
.LBB2_1:
0x10: {  	[spmem:s11], [sflag:s6] =	dma.local [hbm:s1], $0x2800  }
0x11: {  	_ =	swait.ge [sflag:s12], $0x2800  }
0x12: {  	[sflag:s12] =	ssyncset.done $0x0  }
0x13: {  	[sflag:s12] =	ssyncadd.s32 $0xFFFFD800  }
0x14: {  	[tilespmem:s4], [sflag:$0x2] =	stream.linear.gather [hbm4b:s7+s4], $0x2800, $0x38;
	[tilespmem:$0x1D000] =	vst v63  }
0x15: {  	_ =	swait.ge [sflag:s12], $0x2800  }
0x16: {  	[sflag:s12] =	ssyncset.done $0x0  }
0x17: {  	[sflag:s12] =	ssyncadd.s32 $0xFFFFD800  }
0x18: {  	[tilespmem:s13], [sflag:$0x2] =	stream.linear.gather [hbm4b:s8+s4], $0x2800, $0x38;
	[tilespmem:$0x1D000] =	vst v63  }
0x19: {  	_ =	swait.ge [sflag:s12], $0x2800  }
0x1a: {  	[sflag:s12] =	ssyncset.done $0x0  }
0x1b: {  	[sflag:s12] =	ssyncadd.s32 $0xFFFFD800  }
0x1c: {  	s18 =	simm.s32 $0x0;
	[bflag:$0x0] =	sbarrier.arrive $0xFFFF  }
0x1d: {  	[tilespmem:s15], [sflag:$0x1] =	stream.indirect.gather [hbm4b:s5+s14], $0x80, s18, s14, $0xb8;
	[tilespmem:$0x1D000] =	vst v63  }
0x1e: {  	_ =	swait.ge [sflag:s16], $0x4000  }
0x1f: {  	[sflag:s16] =	ssyncset.done $0x0  }
0x20: {  	s31 =	simm.s32 $0x2800;
	[sflag:s16] =	ssyncadd.s32 $0xFFFFC000  }
0x21: {  	[spmem:s2] =	stream.indirect.scatter.add.f32 [tilespmem:s15], [sflag:$0x2], $0x80, s31, s14, $0xb8;
	[tilespmem:$0x1D000] =	vst v63  }
0x22: {  	_ =	swait.ge [sflag:s12], $0x4000  }
0x23: {  	s19 =	simm.s32 $0x400;
	s18 =	simm.s32 $0x200;
	[sflag:s12] =	ssyncset.done $0x0  }
.LBB2_2:
0x24: {  	s20 =	sshra.s32 s18, $0x2  }
0x25: {  	[sflag:s12] =	ssyncadd.s32 $0xFFFFC000;
	s18 =	smov.u32 s19;
	s21 =	sadd.s32 $0x200, s19  }
0x26: {  	[tilespmem:s15], [sflag:$0x1] =	stream.indirect.gather [hbm4b:s5+s14], $0x80, s20, s14, $0xb8;
	[tilespmem:$0x1D000] =	vst v63  }
0x27: {  	p0 =	sne.s32 s19, $0x9E00;
	_ =	swait.ge [sflag:s16], $0x4000  }
.Ltmp0:
0x28: {  	[sflag:s16] =	ssyncset.done $0x0;
	(pc) =	sbr.rel @p0 .LBB2_2-.Ltmp0, $4  }
0x29: {  	s19 =	sadd.s32 $0x2800, s20;
	[sflag:s16] =	ssyncadd.s32 $0xFFFFC000  }
0x2a: {  	[spmem:s2] =	stream.indirect.scatter.add.f32 [tilespmem:s15], [sflag:$0x2], $0x80, s19, s14, $0xb8;
	[tilespmem:$0x1D000] =	vst v63  }
0x2b: {  	_ =	swait.ge [sflag:s12], $0x4000  }
0x2c: {  	s19 =	smov.u32 s21;
	[sflag:s12] =	ssyncset.done $0x0  }
0x2d: {  	s18 =	sshra.s32 s18, $0x2;
	[sflag:s12] =	ssyncadd.s32 $0xFFFFC000  }
0x2e: {  	[tilespmem:s15], [sflag:$0x1] =	stream.indirect.gather [hbm4b:s5+s14], $0x80, s18, s14, $0xb8;
	[tilespmem:$0x1D000] =	vst v63  }
0x2f: {  	_ =	swait.ge [sflag:s16], $0x4000  }
0x30: {  	[sflag:s16] =	ssyncset.done $0x0  }
0x31: {  	s18 =	sadd.s32 $0x2800, s18;
	[sflag:s16] =	ssyncadd.s32 $0xFFFFC000  }
0x32: {  	[spmem:s2] =	stream.indirect.scatter.add.f32 [tilespmem:s15], [sflag:$0x2], $0x80, s18, s14, $0xb8;
	[tilespmem:$0x1D000] =	vst v63  }
0x33: {  	_ =	swait.ge [sflag:s12], $0x4000  }
0x34: {  	s17 =	sadd.s32 $0x1, s17;
	[sflag:s12] =	ssyncset.done $0x0  }
0x35: {  	p0 =	sne.s32 s17, s10;
	[sflag:s12] =	ssyncadd.s32 $0xFFFFC000  }
.Ltmp1:
0x36: {  	[bflag:$0x0] =	sbarrier.arrive $0xFFFF;
	(pc) =	sbr.rel @p0 .LBB2_1-.Ltmp1, $4  }
0x37: {  	[hbm:s9], [sflag:s6] =	dma.local [spmem:s11], $0x2800  }
0x38: {  	_ =	swait.ge [sflag:s12], $0x2800  }
0x39: {  	[sflag:s12] =	ssyncset.done $0x0  }
0x3a: {  	[sflag:s12] =	ssyncadd.s32 $0xFFFFD800  }
0x3b: {  	_ =	sfence.sel $0x180000  }
0x3c: {  	[bflag:$0x0] =	sbarrier.arrive $0xFFFF  }
0x3d: {  	p0 =	sne.s32 s3, $0x0;
	_ =	strace $0x9000004D  }
0x3e: {  	s0 =	sadd.s32 @!p0 $0x100000, s0;
	[bflag:$0x2] =	sbarrier.arrive $0xFFFF  }
0x3f: {  	[sflag:s0] =	ssyncadd.tile.s32 @!p0 $0x1;
	_ =	shalt  }
.Lfunc_end2:
_tile_overlayer_lowered:
.L_overlay_start_2:
0x40: {  	(tag) =	ssettag $0x2  }
0x41: {  	s0 =	rddreg [dreg:$0x0];
	s2 =	stileid.u32  }
0x42: {  	s1 =	rddreg [dreg:$0x1];
	p0 =	sne.s32 s2, $0x0  }
0x43: {  	s3 =	rddreg [dreg:$0x2];
	[bflag:$0x3] =	sbarrier.arrive $0xFFFF;
	s2 =	simm.s32 @!p0 $0x1C02  }
0x44: {  	[timem:s3], [sflag:s2] =	dma.local @!p0 [hbm:s0], s1  }
0x45: {  	s0 =	simm.s32 @!p0 $0x2  }
0x46: {  	_ =	swait.ge @!p0 [sflag:s0], s1  }
0x47: {  	s1 =	ssub.s32 @!p0 $0x0, s1;
	[sflag:s0] =	ssyncset.done @!p0 $0x0  }
0x48: {  	[sflag:s0] =	ssyncadd.s32 @!p0 s1  }
0x49: {  	[bflag:$0x3] =	sbarrier.arrive $0xFFFF  }
0x4a: {  	_ =	shalt  }

// kernel: kernel.7.cloned.1.call-start
scs
__scs_entry_jumppad:
0x0: {  	(pc) =	sbr.rel $0x88, $3  }
0x1: {  	(tag) =	ssettag $0x0;
	lr =	simm.s32 $0x1  }
0x2: {  	[smem:$0x3F8E] =	sst lr;
	_ =	strace $0xD0000000  }
0x3: {  	_ = 	snop  }
0x4: {  	_ = 	snop  }
0x5: {  	_ = 	snop  }
0x6: {  	_ = 	snop  }
0x7: {  	_ = 	snop  }
__scs_overlays_trampoline_lowered:
0x8: {  	[smem:$0x3F9D] =	sst s0  }
0x9: {  	[smem:$0x3F9E] =	sst s1  }
0xa: {  	[smem:$0x3F9F] =	sst s2  }
0xb: {  	[smem:$0x3FA0] =	sst s3  }
0xc: {  	[smem:$0x3FA1] =	sst s4  }
0xd: {  	[smem:$0x3FA2] =	sst s5  }
0xe: {  	[smem:$0x3FA3] =	sst s6  }
0xf: {  	[smem:$0x3FA4] =	sst s7  }
0x10: {  	[smem:$0x3FA5] =	sst s8  }
0x11: {  	[smem:$0x3FA6] =	sst s9;
	s0 =	simm.s32 @!p0 $0x0  }
0x12: {  	s1 =	sld [smem:$0x3F8C];
	s0 =	simm.s32 @p0 $0x1  }
0x13: {  	[smem:$0x3FA7] =	sst s0;
	s0 =	simm.s32 @!p1 $0x0  }
0x14: {  	s2 =	sld [smem:$0x3F8B];
	s0 =	simm.s32 @p1 $0x1  }
0x15: {  	[smem:$0x3FA8] =	sst s0;
	s0 =	simm.s32 @!p2 $0x0  }
0x16: {  	s3 =	sld [smem:$0x3FDB];
	s0 =	simm.s32 @p2 $0x1  }
0x17: {  	s4 =	simm.s32 $0x1BF5;
	[smem:$0x3FAA] =	sst s0  }
0x18: {  	s0 =	sld [smem:$0x3F8D];
	_ =	swait.ge [sflag:s4], $0x0  }
0x19: {  	s7 =	sld [smem:$0x3F8E]  }
0x1a: {  	s8 =	sadd.s32 $0xFFFFE003, lr  }
0x1b: {  	s9 =	sadd.s32 $0xFFFFFEF7, lr;
	s5 =	simm.s32 $0xFFFFFFFF;
	p2 =	slt.u32 s8, $0xFFFFF086  }
0x1c: {  	p1 =	slt.u32 s9, $0xF7A;
	s5 =	simm.s32 @!p2 $0x0  }
0x1d: {  	s5 =	simm.s32 @p1 $0x1;
	p0 =	seq.s32 s7, s2  }
0x1e: {  	s7 =	smul.u32 @!p0 $0xF7A, s2;
	p2 =	seq.s32 @!p0 s5, $0x0  }
0x1f: {  	s9 =	smul.u32 $0xF7A, s1;
	s8 =	simm.s32 @!p0 $0x1BF5;
	p2 =	por !p2, p0  }
0x20: {  	[sflag:s8] =	ssyncset.s32 @!p0 $0xFFFFF086;
	s6 =	sadd.s32 @!p0 s3, s7;
	s7 =	simm.s32 @!p0 $0x108  }
0x21: {  	s3 =	sadd.s32 s3, s9;
	s6 =	sadd.s32 @!p0 $0x88, s6;
	s7 =	simm.s32 @p2 $0x1082  }
0x22: {  	[simem:s7], [sflag:s8] =	dma.local @!p0 [hbm:s6], $0xF7A  }
0x23: {  	s9 =	sor.u32 $0xD0000000, s2;
	s6 =	simm.s32 $0x108;
	_ =	swait.ge @!p0 [sflag:s8], $0x0  }
0x24: {  	s3 =	sadd.s32 $0x88, s3;
	s6 =	simm.s32 @!p1 $0x1082;
	[sflag:s4] =	ssyncset.s32 $0xFFFFF086  }
0x25: {  	[simem:s6], [sflag:s4] =	dma.local [hbm:s3], $0xF7A  }
0x26: {  	[smem:$0x3F8E] =	sst s1;
	(tag) =	ssettag s2;
	_ =	strace s9  }
0x27: {  	s1 =	sld [smem:$0x3F9E]  }
0x28: {  	s2 =	sld [smem:$0x3F9F]  }
0x29: {  	s4 =	sld [smem:$0x3FA1]  }
0x2a: {  	p0 =	seq.s32 s5, $0x0;
	s5 =	sld [smem:$0x3FA2]  }
0x2b: {  	s6 =	sld [smem:$0x3FA3]  }
0x2c: {  	s7 =	sld [smem:$0x3FA4]  }
0x2d: {  	s3 =	simm.s32 $0x108;
	s8 =	sld [smem:$0x3FA5]  }
0x2e: {  	s3 =	simm.s32 @!p0 $0x1082;
	s9 =	sld [smem:$0x3FA6]  }
0x2f: {  	lr =	sadd.s32 s0, s3;
	s0 =	sld [smem:$0x3F9D]  }
0x30: {  	s3 =	sld [smem:$0x3FA0]  }
0x31: {  	[smem:$0x3FA9] =	sst s10  }
0x32: {  	s10 =	sld [smem:$0x3FA7];
	_ =	sdelay $0x3  }
0x33: {  	p0 =	seq.s32 s10, $0x1;
	s10 =	sld [smem:$0x3FA9];
	_ =	sdelay $0x3  }
0x34: {  	[smem:$0x3FA9] =	sst s10  }
0x35: {  	s10 =	sld [smem:$0x3FA8];
	_ =	sdelay $0x3  }
0x36: {  	p1 =	seq.s32 s10, $0x1;
	s10 =	sld [smem:$0x3FA9];
	_ =	sdelay $0x3  }
0x37: {  	[smem:$0x3FA9] =	sst s10  }
0x38: {  	s10 =	sld [smem:$0x3FAA]  }
0x39: {  	_ = 	snop;
	(pc) =	sbr.ind lr, $3  }
0x3a: {  	_ = 	snop  }
0x3b: {  	_ = 	snop  }
0x3c: {  	p2 =	seq.s32 s10, $0x1;
	s10 =	sld [smem:$0x3FA9]  }
0x3d: {  	_ =	shalt  }
0x3e: {  	_ =	shalt  }
0x3f: {  	_ =	shalt  }
0x40: {  	_ =	shalt  }
0x41: {  	_ =	shalt  }
0x42: {  	_ =	shalt  }
0x43: {  	_ =	shalt  }
0x44: {  	_ =	shalt  }
0x45: {  	_ =	shalt  }
0x46: {  	_ =	shalt  }
0x47: {  	_ =	shalt  }
0x48: {  	_ =	shalt  }
0x49: {  	_ =	shalt  }
0x4a: {  	_ =	shalt  }
0x4b: {  	_ =	shalt  }
0x4c: {  	_ =	shalt  }
0x4d: {  	_ =	shalt  }
0x4e: {  	_ =	shalt  }
0x4f: {  	_ =	shalt  }
0x50: {  	_ =	shalt  }
0x51: {  	_ =	shalt  }
0x52: {  	_ =	shalt  }
0x53: {  	_ =	shalt  }
0x54: {  	_ =	shalt  }
0x55: {  	_ =	shalt  }
0x56: {  	_ =	shalt  }
0x57: {  	_ =	shalt  }
0x58: {  	_ =	shalt  }
0x59: {  	_ =	shalt  }
0x5a: {  	_ =	shalt  }
0x5b: {  	_ =	shalt  }
0x5c: {  	_ =	shalt  }
0x5d: {  	_ =	shalt  }
0x5e: {  	_ =	shalt  }
0x5f: {  	_ =	shalt  }
0x60: {  	_ =	shalt  }
0x61: {  	_ =	shalt  }
0x62: {  	_ =	shalt  }
0x63: {  	_ =	shalt  }
0x64: {  	_ =	shalt  }
0x65: {  	_ =	shalt  }
0x66: {  	_ =	shalt  }
0x67: {  	_ =	shalt  }
0x68: {  	_ =	shalt  }
0x69: {  	_ =	shalt  }
0x6a: {  	_ =	shalt  }
0x6b: {  	_ =	shalt  }
0x6c: {  	_ =	shalt  }
0x6d: {  	_ =	shalt  }
0x6e: {  	_ =	shalt  }
0x6f: {  	_ =	shalt  }
0x70: {  	_ =	shalt  }
0x71: {  	_ =	shalt  }
0x72: {  	_ =	shalt  }
0x73: {  	_ =	shalt  }
0x74: {  	_ =	shalt  }
0x75: {  	_ =	shalt  }
0x76: {  	_ =	shalt  }
0x77: {  	_ =	shalt  }
0x78: {  	_ =	shalt  }
0x79: {  	_ =	shalt  }
0x7a: {  	_ =	shalt  }
0x7b: {  	_ =	shalt  }
0x7c: {  	_ =	shalt  }
0x7d: {  	_ =	shalt  }
0x7e: {  	_ =	shalt  }
0x7f: {  	_ =	shalt  }
0x80: {  	_ =	shalt  }
0x81: {  	_ =	shalt  }
0x82: {  	_ =	shalt  }
0x83: {  	_ =	shalt  }
0x84: {  	_ =	shalt  }
0x85: {  	_ =	shalt  }
0x86: {  	_ =	shalt  }
0x87: {  	_ =	shalt  }
.Lfunc_end0:
.L_simem_size_0:
called_computation_lowered:
.L_overlay_start_0:
0x88: {  	s2 =	sld [smem:$0x3FD9]  }
0x89: {  	s3 =	sld [smem:$0x3FFE];
	_ =	sdelay $0x1  }
0x8a: {  	s1 =	srdreg.scid  }
0x8b: {  	s0 =	sand.u32 $0x1, s1  }
0x8c: {  	s14 =	sshll.u32 s0, $0xA;
	s2 =	sadd.s32 s3, s2  }
0x8d: {  	s2 =	sadd.s32 s2, s14  }
0x8e: {  	[smem:$0x3FB5] =	sst s2  }
0x8f: {  	_ = 	snop  }
0x90: {  	s2 =	sld [smem:$0x3FD0];
	_ =	sdelay $0x2  }
0x91: {  	s15 =	simm.s32 $0xB;
	s4 =	simm.s32 $0x10  }
0x92: {  	[smem:s4], [sflag:s15] =	dma.local [hbm:s2], $0x1  }
0x93: {  	_ =	swait.eq [sflag:s15], $0x1  }
0x94: {  	[sflag:s15] =	ssyncset.done $0x0  }
0x95: {  	[sflag:s15] =	ssyncadd.s32 $0xFFFFFFFF  }
0x96: {  	s16 =	sld [smem:$0x11];
	(tm) =	ssettm $0x1  }
0x97: {  	s17 =	sld [smem:$0x3FFB];
	_ =	sdelay $0x3  }
0x98: {  	_ =	strace s17  }
0x99: {  	s3 =	sld [smem:$0x3FFC];
	_ =	sdelay $0x3  }
0x9a: {  	_ =	strace s3  }
0x9b: {  	s3 =	sld [smem:$0x3FFD];
	_ =	sdelay $0x3  }
0x9c: {  	_ =	strace s3  }
0x9d: {  	_ =	strace $0x8FFFFFFF  }
0x9e: {  	s18 =	sld [smem:$0x3FDB];
	_ =	sdelay $0x1  }
0x9f: {  	s19 =	simm.s32 $_scs_section_size  }
0xa0: {  	s5 =	simm.s32 $_size__tile_overlayer_lowered;
	s6 =	simm.s32 $_tile_overlayer_lowered  }
0xa1: {  	s22 =	simm.s32 $0x1BFF;
	s21 =	sshll.u32 s6, $0x1;
	s3 =	sadd.s32 s19, s18  }
0xa2: {  	s7 =	simm.s32 $0x0;
	s20 =	sshll.u32 s5, $0x1;
	s5 =	sadd.s32 s21, s3  }
0xa3: {  	[timem:s7], [sflag:s22] =	dma.local [hbm:s5], s20  }
0xa4: {  	_ =	swait.ge [sflag:s22], s20  }
0xa5: {  	s4 =	ssub.s32 $0x0, s20;
	[sflag:s22] =	ssyncset.done $0x0  }
0xa6: {  	[sflag:s22] =	ssyncadd.s32 s4;
	_ =	sdelay $0x1  }
0xa7: {  	s23 =	simm.s32 $0x1B8B  }
0xa8: {  	_ =	swait.ge [sflag:s23], $0x1  }
0xa9: {  	[sflag:s23] =	ssyncset.done $0x0  }
0xaa: {  	s25 =	simm.s32 $0x1B8E;
	s24 =	sld [smem:$0x3FFE];
	[sflag:s23] =	ssyncadd.s32 $0xFFFFFFFF  }
0xab: {  	s26 =	simm.s32 $execute0_lowered;
	[smem:$0x3FD2] =	sst s25  }
0xac: {  	s5 =	sshll.u32 s26, $0x1;
	_ =	strace $0x80000046;
	[dreg:$0x1] =	wrdreg $0xFFFFFFFF  }
0xad: {  	s28 =	simm.s32 $_size_execute0_lowered;
	s3 =	sadd.s32 s3, s5;
	[dreg:$0x0] =	wrdreg $0x0  }
0xae: {  	s5 =	sshll.u32 s28, $0x1;
	[dreg:$0x2] =	wrdreg s3  }
0xaf: {  	[dreg:$0x3] =	wrdreg s5  }
0xb0: {  	[dreg:$0x4] =	wrdreg $0xC0  }
0xb1: {  	_ =	task [dreg:s7], $0x5FFFF  }
0xb2: {  	[dreg:$0x1] =	wrdreg $0xFFFFFFFF  }
0xb3: {  	[dreg:$0x0] =	wrdreg $0x60  }
0xb4: {  	[dreg:$0x2] =	wrdreg s24  }
0xb5: {  	[dreg:$0x3] =	wrdreg s16  }
0xb6: {  	[dreg:$0x4] =	wrdreg $0x90000  }
0xb7: {  	[dreg:$0x5] =	wrdreg $0x9  }
0xb8: {  	_ =	task.clear_ibuf [dreg:s7], $0x6FFFF;
	_ =	strace $0x90000046  }
0xb9: {  	s29 =	simm.s32 $0x9;
	_ =	strace $0x80000048  }
0xba: {  	_ =	swait.ge [sflag:s29], $0x1  }
0xbb: {  	[sflag:s29] =	ssyncadd.s32 $0xFFFFFFFF  }
0xbc: {  	_ =	strace $0x90000048  }
0xbd: {  	_ =	sfence  }
0xbe: {  	s30 =	sld [smem:$0x0];
	_ =	sdelay $0x2  }
0xbf: {  	s31 =	sshll.u32 s1, $0xD;
	s1 =	sshrl.u32 s1, $0x2  }
0xc0: {  	s3 =	sand.u32 $0x4000, s31;
	s1 =	sadd.s32 s1, s30  }
0xc1: {  	s0 =	sor.u32 s3, s0;
	s1 =	sshll.u32 s1, $0x11  }
0xc2: {  	s0 =	sor.u32 s1, s0  }
0xc3: {  	s0 =	sadd.s32 $0x8F2B, s0  }
0xc4: {  	[sflag:s0] =	ssyncadd.remote.s32 $0x1  }
0xc5: {  	_ =	sfence.sel $0xFFFF  }
0xc6: {  	[dreg:$0x0] =	wrdreg $0xFFFFFFFF;
	(pc) =	sbr.abs _section_cstart, $3  }
0xc7: {  	[dreg:$0x1] =	wrdreg $0xFFFFFFFF  }
0xc8: {  	_ =	task.clear_ibuf [dreg:s7], $0x2FFFF;
	_ =	strace $0x9FFFFFFF  }
0xc9: {  	(tm) =	ssettm $0x7FFFFFFF  }
tec
execute0_lowered:
.L_overlay_start_1:
0x0: {  	(tag) =	ssettag $0x1  }
0x1: {  	s6 =	rddreg [dreg:$0x0]  }
0x2: {  	s1 =	rddreg [dreg:$0x1]  }
0x3: {  	s2 =	rddreg [dreg:$0x2]  }
0x4: {  	s3 =	srdreg.scid;
	s0 =	rddreg [dreg:$0x3];
	s4 =	simm.s32 $0x0  }
0x5: {  	s14 =	simm.s32 $0x80;
	s15 =	simm.s32 $0x5000;
	s7 =	sand.u32 $0x1, s3  }
0x6: {  	s16 =	simm.s32 $0x1;
	s3 =	stileid.u32;
	s8 =	smul.u32 $0x140000, s7  }
0x7: {  	s17 =	simm.s32 $0x0;
	[smem:$0x7FF] =	sst s4;
	s9 =	smul.u32 $0x14000, s3  }
0x8: {  	s5 =	sshll.u32 s7, $0x4;
	_ =	strace $0x80000047;
	s28 =	smul.u32 $0x50000, s3  }
0x9: {  	s7 =	ssub.s32 $0x2, s7;
	s31 =	sshll.u32 s3, $0x6;
	s5 =	sor.u32 s3, s5  }
0xa: {  	s29 =	sshrl.u32 s7, $0x1;
	s10 =	smul.u32 $0x500, s5;
	s5 =	sadd.s32 $0x16C00, s6  }
0xb: {  	s8 =	sadd.s32 s9, s8;
	s30 =	sshrl.u32 s28, $0x2;
	s12 =	ssub.s32 s7, s29  }
0xc: {  	s8 =	sshrl.u32 s8, $0x3;
	s13 =	sadd.s32 s30, s2;
	s10 =	sadd.s32 s10, s6  }
0xd: {  	s11 =	sadd.s32 s8, s6;
	s6 =	sor.u32 $0x1C02, s31;
	s7 =	sadd.s32 $0xCC00, s10  }
0xe: {  	s8 =	sadd.s32 $0x2C00, s10;
	s9 =	sadd.s32 $0x3EC00, s11;
	s10 =	smax.u32 s12, $0x1  }
0xf: {  	s11 =	sshrl.u32 s13, $0x3;
	s12 =	simm.s32 $0x2;
	s13 =	simm.s32 $0x2800  }
.LBB2_1:
0x10: {  	[spmem:s11], [sflag:s6] =	dma.local [hbm:s1], $0x2800  }
0x11: {  	_ =	swait.ge [sflag:s12], $0x2800  }
0x12: {  	[sflag:s12] =	ssyncset.done $0x0  }
0x13: {  	[sflag:s12] =	ssyncadd.s32 $0xFFFFD800  }
0x14: {  	[tilespmem:s4], [sflag:$0x2] =	stream.linear.gather [hbm4b:s7+s4], $0x2800, $0x38;
	[tilespmem:$0x1D000] =	vst v63  }
0x15: {  	_ =	swait.ge [sflag:s12], $0x2800  }
0x16: {  	[sflag:s12] =	ssyncset.done $0x0  }
0x17: {  	[sflag:s12] =	ssyncadd.s32 $0xFFFFD800  }
0x18: {  	[tilespmem:s13], [sflag:$0x2] =	stream.linear.gather [hbm4b:s8+s4], $0x2800, $0x38;
	[tilespmem:$0x1D000] =	vst v63  }
0x19: {  	_ =	swait.ge [sflag:s12], $0x2800  }
0x1a: {  	[sflag:s12] =	ssyncset.done $0x0  }
0x1b: {  	[sflag:s12] =	ssyncadd.s32 $0xFFFFD800  }
0x1c: {  	s18 =	simm.s32 $0x0;
	[bflag:$0x0] =	sbarrier.arrive $0xFFFF  }
0x1d: {  	[tilespmem:s15], [sflag:$0x1] =	stream.indirect.gather [hbm4b:s5+s14], $0x80, s18, s14, $0xb8;
	[tilespmem:$0x1D000] =	vst v63  }
0x1e: {  	_ =	swait.ge [sflag:s16], $0x4000  }
0x1f: {  	[sflag:s16] =	ssyncset.done $0x0  }
0x20: {  	s31 =	simm.s32 $0x2800;
	[sflag:s16] =	ssyncadd.s32 $0xFFFFC000  }
0x21: {  	[spmem:s2] =	stream.indirect.scatter.add.f32 [tilespmem:s15], [sflag:$0x2], $0x80, s31, s14, $0xb8;
	[tilespmem:$0x1D000] =	vst v63  }
0x22: {  	_ =	swait.ge [sflag:s12], $0x4000  }
0x23: {  	s19 =	simm.s32 $0x400;
	s18 =	simm.s32 $0x200;
	[sflag:s12] =	ssyncset.done $0x0  }
.LBB2_2:
0x24: {  	s20 =	sshra.s32 s18, $0x2  }
0x25: {  	[sflag:s12] =	ssyncadd.s32 $0xFFFFC000;
	s18 =	smov.u32 s19;
	s21 =	sadd.s32 $0x200, s19  }
0x26: {  	[tilespmem:s15], [sflag:$0x1] =	stream.indirect.gather [hbm4b:s5+s14], $0x80, s20, s14, $0xb8;
	[tilespmem:$0x1D000] =	vst v63  }
0x27: {  	p0 =	sne.s32 s19, $0x9E00;
	_ =	swait.ge [sflag:s16], $0x4000  }
.Ltmp0:
0x28: {  	[sflag:s16] =	ssyncset.done $0x0;
	(pc) =	sbr.rel @p0 .LBB2_2-.Ltmp0, $4  }
0x29: {  	s19 =	sadd.s32 $0x2800, s20;
	[sflag:s16] =	ssyncadd.s32 $0xFFFFC000  }
0x2a: {  	[spmem:s2] =	stream.indirect.scatter.add.f32 [tilespmem:s15], [sflag:$0x2], $0x80, s19, s14, $0xb8;
	[tilespmem:$0x1D000] =	vst v63  }
0x2b: {  	_ =	swait.ge [sflag:s12], $0x4000  }
0x2c: {  	s19 =	smov.u32 s21;
	[sflag:s12] =	ssyncset.done $0x0  }
0x2d: {  	s18 =	sshra.s32 s18, $0x2;
	[sflag:s12] =	ssyncadd.s32 $0xFFFFC000  }
0x2e: {  	[tilespmem:s15], [sflag:$0x1] =	stream.indirect.gather [hbm4b:s5+s14], $0x80, s18, s14, $0xb8;
	[tilespmem:$0x1D000] =	vst v63  }
0x2f: {  	_ =	swait.ge [sflag:s16], $0x4000  }
0x30: {  	[sflag:s16] =	ssyncset.done $0x0  }
0x31: {  	s18 =	sadd.s32 $0x2800, s18;
	[sflag:s16] =	ssyncadd.s32 $0xFFFFC000  }
0x32: {  	[spmem:s2] =	stream.indirect.scatter.add.f32 [tilespmem:s15], [sflag:$0x2], $0x80, s18, s14, $0xb8;
	[tilespmem:$0x1D000] =	vst v63  }
0x33: {  	_ =	swait.ge [sflag:s12], $0x4000  }
0x34: {  	s17 =	sadd.s32 $0x1, s17;
	[sflag:s12] =	ssyncset.done $0x0  }
0x35: {  	p0 =	sne.s32 s17, s10;
	[sflag:s12] =	ssyncadd.s32 $0xFFFFC000  }
.Ltmp1:
0x36: {  	[bflag:$0x0] =	sbarrier.arrive $0xFFFF;
	(pc) =	sbr.rel @p0 .LBB2_1-.Ltmp1, $4  }
0x37: {  	[hbm:s9], [sflag:s6] =	dma.local [spmem:s11], $0x2800  }
0x38: {  	_ =	swait.ge [sflag:s12], $0x2800  }
0x39: {  	[sflag:s12] =	ssyncset.done $0x0  }
0x3a: {  	[sflag:s12] =	ssyncadd.s32 $0xFFFFD800  }
0x3b: {  	_ =	sfence.sel $0x180000  }
0x3c: {  	[bflag:$0x0] =	sbarrier.arrive $0xFFFF  }
0x3d: {  	p0 =	sne.s32 s3, $0x0;
	_ =	strace $0x90000047  }
0x3e: {  	s0 =	sadd.s32 @!p0 $0x100000, s0;
	[bflag:$0x2] =	sbarrier.arrive $0xFFFF  }
0x3f: {  	[sflag:s0] =	ssyncadd.tile.s32 @!p0 $0x1;
	_ =	shalt  }
.Lfunc_end2:
_tile_overlayer_lowered:
.L_overlay_start_2:
0x40: {  	(tag) =	ssettag $0x2  }
0x41: {  	s0 =	rddreg [dreg:$0x0];
	s2 =	stileid.u32  }
0x42: {  	s1 =	rddreg [dreg:$0x1];
	p0 =	sne.s32 s2, $0x0  }
0x43: {  	s3 =	rddreg [dreg:$0x2];
	[bflag:$0x3] =	sbarrier.arrive $0xFFFF;
	s2 =	simm.s32 @!p0 $0x1C02  }
0x44: {  	[timem:s3], [sflag:s2] =	dma.local @!p0 [hbm:s0], s1  }
0x45: {  	s0 =	simm.s32 @!p0 $0x2  }
0x46: {  	_ =	swait.ge @!p0 [sflag:s0], s1  }
0x47: {  	s1 =	ssub.s32 @!p0 $0x0, s1;
	[sflag:s0] =	ssyncset.done @!p0 $0x0  }
0x48: {  	[sflag:s0] =	ssyncadd.s32 @!p0 s1  }
0x49: {  	[bflag:$0x3] =	sbarrier.arrive $0xFFFF  }
0x4a: {  	_ =	shalt  }

</sc_bundles>
